<compile_context>
chip_gen: v7x
topology: tpu7x:2x2x1
jax: 0.10.2.dev20260603
libtpu: 0.0.44.dev20260713+nightly
codegen_flags: <defaults>
</compile_context>

<pallas_src>
import functools

import jax
import jax.numpy as jnp
from jax import lax
from jax.experimental import pallas as pl
from jax.experimental.pallas import tpu as pltpu
from jax.experimental.pallas import tpu_sc as plsc

_N = 16384
_D = 64
_MOUT = 1001
_CHUNK = 128
_BN = 2048
_L = 16


def _sc_gather(embW, logstdUW, biasW1, lbW1, epsUb1, idx2):
    info = plsc.get_sparse_core_info()
    nc = info.num_cores
    nw = nc * info.num_subcores
    bpw = _N // nw
    nch = bpw // _CHUNK
    mesh = plsc.VectorSubcoreMesh(core_axis_name="c", subcore_axis_name="s")

    @functools.partial(
        pl.kernel,
        mesh=mesh,
        out_type=(
            jax.ShapeDtypeStruct((_N, 2 * _D), jnp.float32),
            jax.ShapeDtypeStruct((_N,), jnp.float32),
        ),
        scratch_types=[
            pltpu.VMEM((nch, _CHUNK), jnp.int32),
            pltpu.VMEM((bpw, _D), jnp.float32),
            pltpu.VMEM((bpw, _D), jnp.float32),
            pltpu.VMEM((bpw,), jnp.float32),
            pltpu.VMEM((bpw,), jnp.float32),
            pltpu.VMEM((bpw,), jnp.float32),
            pltpu.SemaphoreType.DMA,
            pltpu.SemaphoreType.DMA,
            pltpu.SemaphoreType.DMA,
            pltpu.SemaphoreType.DMA,
        ],
        compiler_params=pltpu.CompilerParams(use_tc_tiling_on_sc=False),
    )
    def gather_k(emb_hbm, lstd_hbm, b_hbm, lb_hbm, eub_hbm, idx_hbm,
                 ocat_hbm, ob_hbm,
                 idx_v, e_v, l_v, b_v, lb_v, eub_v, s0, s1, s2, s3):
        wid = lax.axis_index("s") * nc + lax.axis_index("c")
        base = wid * bpw
        pltpu.sync_copy(idx_hbm.at[pl.ds(wid * nch, nch)], idx_v)
        c_eub = pltpu.async_copy(eub_hbm.at[pl.ds(base, bpw)], eub_v, s3)
        copies = []
        for j in range(nch):
            sl = pl.ds(j * _CHUNK, _CHUNK)
            copies.append(pltpu.async_copy(emb_hbm.at[idx_v.at[j]], e_v.at[sl], s0))
            copies.append(pltpu.async_copy(lstd_hbm.at[idx_v.at[j]], l_v.at[sl], s1))
            copies.append(pltpu.async_copy(b_hbm.at[idx_v.at[j]], b_v.at[sl], s2))
            copies.append(pltpu.async_copy(lb_hbm.at[idx_v.at[j]], lb_v.at[sl], s2))
        for c in copies:
            c.wait()
        c_eub.wait()
        for k in range(bpw // _L):
            sl = pl.ds(k * _L, _L)
            b_v[sl] = b_v[sl] + eub_v[sl] * jnp.exp(0.5 * lb_v[sl])
        rows = pl.ds(base, bpw)
        pltpu.sync_copy(e_v, ocat_hbm.at[rows, pl.ds(0, _D)])
        pltpu.sync_copy(l_v, ocat_hbm.at[rows, pl.ds(_D, _D)])
        pltpu.sync_copy(b_v, ob_hbm.at[rows])

    return gather_k(embW, logstdUW, biasW1, lbW1, epsUb1, idx2)


def _tc_body(gcat_ref, b2_ref, eu_ref,
             muv_ref, lsv_ref, ev_ref, muvb_ref, lsvb_ref, evb_ref,
             out_ref, v_scr, vbc_scr, mb_scr, p_scr, s_scr):
    f32 = jnp.float32

    @pl.when(pl.program_id(0) == 0)
    def _():
        v = muv_ref[...] + ev_ref[...] * jnp.exp(0.5 * lsv_ref[...])
        q = jnp.dot(v, jnp.full((_MOUT, 1), 1.0 / _MOUT, f32),
                    preferred_element_type=f32)
        v_scr[...] = v - q
        vb = muvb_ref[...] + evb_ref[...] * jnp.exp(0.5 * lsvb_ref[...])
        svb = jnp.sum(vb, axis=1, keepdims=True) * (1.0 / _MOUT)
        vbc_scr[...] = vb - svb
        col = lax.broadcasted_iota(jnp.int32, (1, _MOUT), 1)
        mb_scr[...] = jnp.where(col > 0, 1.0, 0.0) - (_MOUT - 1.0) / _MOUT
        r8 = lax.broadcasted_iota(jnp.int32, (_BN, _BN // _CHUNK), 0)
        c8 = lax.broadcasted_iota(jnp.int32, (_BN, _BN // _CHUNK), 1)
        p_scr[...] = jnp.where(r8 // _CHUNK == c8, 1.0, 0.0)
        rl = lax.broadcasted_iota(jnp.int32, (_BN, _CHUNK), 0)
        cl = lax.broadcasted_iota(jnp.int32, (_BN, _CHUNK), 1)
        s_scr[...] = jnp.where(rl % _CHUNK == cl, 1.0, 0.0)

    g = gcat_ref[...]
    embeds = g[:, :_D] + eu_ref[...] * jnp.exp(0.5 * g[:, _D:])
    t1 = jnp.dot(embeds, v_scr[...], preferred_element_type=f32)
    c1 = jnp.dot(p_scr[...], b2_ref[...], preferred_element_type=f32)
    b_col = jnp.dot(c1 * s_scr[...], jnp.ones((_CHUNK, 1), f32),
                    preferred_element_type=f32)
    out_ref[...] = t1 + vbc_scr[...] + b_col * mb_scr[...]


def _tc_forward(gcat, bias2, epsU, muVp, lsVp, eVp, muVbp, lsVbp, eVbp):
    grid = _N // _BN
    v_spec = pl.BlockSpec((_D, _MOUT), lambda i: (0, 0))
    vb_spec = pl.BlockSpec((1, _MOUT), lambda i: (0, 0))
    return pl.pallas_call(
        _tc_body,
        grid=(grid,),
        in_specs=[pl.BlockSpec((_BN, 2 * _D), lambda i: (i, 0)),
                  pl.BlockSpec((_BN // _CHUNK, _CHUNK), lambda i: (i, 0)),
                  pl.BlockSpec((_BN, _D), lambda i: (i, 0)),
                  v_spec, v_spec, v_spec, vb_spec, vb_spec, vb_spec],
        out_specs=pl.BlockSpec((_BN, _MOUT), lambda i: (i, 0)),
        out_shape=jax.ShapeDtypeStruct((_N, _MOUT), jnp.float32),
        scratch_shapes=[
            pltpu.VMEM((_D, _MOUT), jnp.float32),
            pltpu.VMEM((1, _MOUT), jnp.float32),
            pltpu.VMEM((1, _MOUT), jnp.float32),
            pltpu.VMEM((_BN, _BN // _CHUNK), jnp.float32),
            pltpu.VMEM((_BN, _CHUNK), jnp.float32),
        ],
    )(gcat, bias2, epsU, muVp, lsVp, eVp, muVbp, lsVbp, eVbp)


def kernel(inputs, embW, biasW, logstdUW, logstdUbW, muV, muVb,
           logstdV, logstdVb, epsU, epsUb, epsV, epsVb):
    idx2 = inputs.astype(jnp.int32).reshape(_N // _CHUNK, _CHUNK)
    gcat, bias2 = _sc_gather(embW, logstdUW, biasW.reshape(-1),
                             logstdUbW.reshape(-1), epsUb.reshape(-1), idx2)
    pad = ((0, 0), (1, 0))
    return _tc_forward(
        gcat, bias2.reshape(_CHUNK, _CHUNK), epsU,
        jnp.pad(muV, pad), jnp.pad(logstdV, pad), jnp.pad(epsV, pad),
        jnp.pad(muVb, pad), jnp.pad(logstdVb, pad), jnp.pad(epsVb, pad))

# --- scband reference (transcript-rebuilt; emitter-appended) ---
"""Pipeline reference for scband-mmvec-38732015076024 (READ-ONLY COPY).

The authoritative reference and input builder live on the scoring server;
editing this copy changes nothing except your own understanding.
"""

import jax, jax.numpy as jnp
import numpy as np

NUM_MICROBES = 100000
NUM_METAB = 1001
LATENT = 64
N = 16384  # batch_size(1024) * subsample_size(16)


def setup_inputs(seed: int = 0) -> dict:
    key = jax.random.key(seed)
    ks = jax.random.split(key, 13)
    inputs = jax.random.randint(ks[0], (N,), 0, NUM_MICROBES)
    embW = jax.random.normal(ks[1], (NUM_MICROBES, LATENT), dtype=jnp.float32) * 0.05
    biasW = jax.random.normal(ks[2], (NUM_MICROBES, 1), dtype=jnp.float32) * 0.05
    logstdUW = jax.random.normal(ks[3], (NUM_MICROBES, LATENT), dtype=jnp.float32) * 0.01 - 2.0
    logstdUbW = jax.random.normal(ks[4], (NUM_MICROBES, 1), dtype=jnp.float32) * 0.01 - 2.0
    muV = jax.random.normal(ks[5], (LATENT, NUM_METAB - 1), dtype=jnp.float32) * 0.05
    muVb = jax.random.normal(ks[6], (1, NUM_METAB - 1), dtype=jnp.float32) * 0.05
    logstdV = jax.random.normal(ks[7], (LATENT, NUM_METAB - 1), dtype=jnp.float32) * 0.01 - 2.0
    logstdVb = jax.random.normal(ks[8], (1, NUM_METAB - 1), dtype=jnp.float32) * 0.01 - 2.0
    # reparameterization noise (constant samples for a deterministic reference)
    epsU = jax.random.normal(ks[9], (N, LATENT), dtype=jnp.float32)
    epsUb = jax.random.normal(ks[10], (N, 1), dtype=jnp.float32)
    epsV = jax.random.normal(ks[11], (LATENT, NUM_METAB - 1), dtype=jnp.float32)
    epsVb = jax.random.normal(ks[12], (1, NUM_METAB - 1), dtype=jnp.float32)
    return {
        "inputs": inputs,
        "embW": embW, "biasW": biasW,
        "logstdUW": logstdUW, "logstdUbW": logstdUbW,
        "muV": muV, "muVb": muVb,
        "logstdV": logstdV, "logstdVb": logstdVb,
        "epsU": epsU, "epsUb": epsUb, "epsV": epsV, "epsVb": epsVb,
    }


def _reparam(mu, logvar, eps):
    return mu + eps * jnp.exp(0.5 * logvar)


def reference(inputs, embW, biasW, logstdUW, logstdUbW, muV, muVb,
              logstdV, logstdVb, epsU, epsUb, epsV, epsVb):
    # encode: embedding gathers + reparameterization
    embeds = _reparam(jnp.take(embW, inputs, axis=0), jnp.take(logstdUW, inputs, axis=0), epsU)
    biases = _reparam(jnp.take(biasW, inputs, axis=0), jnp.take(logstdUbW, inputs, axis=0), epsUb)
    V = _reparam(muV, logstdV, epsV)
    Vb = _reparam(muVb, logstdVb, epsVb)
    lam = biases + embeds @ V + Vb  # [N, NUM_METAB-1]
    zeros = jnp.zeros((lam.shape[0], 1), dtype=lam.dtype)
    lam = jnp.concatenate((zeros, lam), axis=1)  # [N, NUM_METAB]
    m = jnp.mean(lam, axis=1)
    log_probs = lam - m[:, None]
    return log_probs

if __name__ == "__main__":
    import jax
    _d = setup_inputs()
    print(jax.jit(kernel)(*tuple(_d.values())))

</pallas_src>

<mosaic_0001>
#map = affine_map<(d0, d1) -> (0, 0)>
#map1 = affine_map<(d0, d1) -> (0)>
module attributes {stable_mosaic.version = 14 : i64} {
  func.func @gather_k(%arg0: i32, %arg1: i32, %arg2: memref<100000x64xf32, #tpu.memory_space<hbm>>, %arg3: memref<100000x64xf32, #tpu.memory_space<hbm>>, %arg4: memref<100000xf32, #tpu.memory_space<hbm>>, %arg5: memref<100000xf32, #tpu.memory_space<hbm>>, %arg6: memref<16384xf32, #tpu.memory_space<hbm>>, %arg7: memref<128x128xi32, #tpu.memory_space<hbm>>, %arg8: memref<16384x128xf32, #tpu.memory_space<hbm>>, %arg9: memref<16384xf32, #tpu.memory_space<hbm>>, %arg10: memref<4x128xi32, #tpu.memory_space<vmem>>, %arg11: memref<512x64xf32, #tpu.memory_space<vmem>>, %arg12: memref<512x64xf32, #tpu.memory_space<vmem>>, %arg13: memref<512xf32, #tpu.memory_space<vmem>>, %arg14: memref<512xf32, #tpu.memory_space<vmem>>, %arg15: memref<512xf32, #tpu.memory_space<vmem>>, %arg16: memref<!tpu.dma_semaphore, #tpu.memory_space<semaphore_mem>>, %arg17: memref<!tpu.dma_semaphore, #tpu.memory_space<semaphore_mem>>, %arg18: memref<!tpu.dma_semaphore, #tpu.memory_space<semaphore_mem>>, %arg19: memref<!tpu.dma_semaphore, #tpu.memory_space<semaphore_mem>>) attributes {dimension_semantics = [#tpu.dimension_semantics<core_parallel>, #tpu.dimension_semantics<subcore_parallel>], iteration_bounds = array<i64: 2, 16>, scalar_prefetch = 0 : i64, scratch_operands = 10 : i64, tpu.core_type = #tpu.core_type<sc_vector_subcore>, window_params = [{transform_indices = #map}, {transform_indices = #map}, {transform_indices = #map1}, {transform_indices = #map1}, {transform_indices = #map1}, {transform_indices = #map}, {transform_indices = #map}, {transform_indices = #map1}]} {
    %mul3A = arith.constant 2 : i32
    %mul3A_0 = arith.muli %arg1, %mul3A : i32
    %add3A = arith.addi %mul3A_0, %arg0 : i32
    %mul3A_1 = arith.constant 512 : i32
    %mul3A_2 = arith.muli %add3A, %mul3A_1 : i32
    %mul3A_3 = arith.constant 4 : i32
    %mul3A_4 = arith.muli %add3A, %mul3A_3 : i32
    "tpu.region"() ({
      %run_scoped3A = tpu.sem_alloc : memref<!tpu.dma_semaphore, #tpu.memory_space<semaphore_mem>>
      %dma_start3A_900 = arith.constant 0 : i32
      %dma_start3A_901 = tpu.memref_slice %arg7[%mul3A_4, %dma_start3A_900] : memref<128x128xi32, #tpu.memory_space<hbm>> -> memref<4x128xi32, #tpu.memory_space<hbm>>
      %dma_start3A_902 = arith.constant 0 : i32
      %dma_start3A_903 = tpu.memref_slice %arg7[%mul3A_4, %dma_start3A_902] : memref<128x128xi32, #tpu.memory_space<hbm>> -> memref<4x128xi32, #tpu.memory_space<hbm>>
      tpu.enqueue_dma source(%dma_start3A_903 : memref<4x128xi32, #tpu.memory_space<hbm>>) target(%arg10 : memref<4x128xi32, #tpu.memory_space<vmem>>) target_semaphore(%run_scoped3A : memref<!tpu.dma_semaphore, #tpu.memory_space<semaphore_mem>>)
      %dma_wait3A_904 = arith.constant 0 : i32
      %dma_wait3A_905 = tpu.memref_slice %arg7[%mul3A_4, %dma_wait3A_904] : memref<128x128xi32, #tpu.memory_space<hbm>> -> memref<4x128xi32, #tpu.memory_space<hbm>>
      %dma_wait3A_906 = arith.constant 0 : i32
      %dma_wait3A_907 = tpu.memref_slice %arg7[%mul3A_4, %dma_wait3A_906] : memref<128x128xi32, #tpu.memory_space<hbm>> -> memref<4x128xi32, #tpu.memory_space<hbm>>
      tpu.wait_dma2 semaphore(%run_scoped3A : memref<!tpu.dma_semaphore, #tpu.memory_space<semaphore_mem>>) src(%dma_wait3A_907 : memref<4x128xi32, #tpu.memory_space<hbm>>) dst(%arg10 : memref<4x128xi32, #tpu.memory_space<vmem>>)
      tpu.yield
    }) : () -> ()
    %dma_start3A = tpu.memref_slice %arg6[%mul3A_2] : memref<16384xf32, #tpu.memory_space<hbm>> -> memref<512xf32, #tpu.memory_space<hbm>>
    %dma_start3A_5 = tpu.memref_slice %arg6[%mul3A_2] : memref<16384xf32, #tpu.memory_space<hbm>> -> memref<512xf32, #tpu.memory_space<hbm>>
    tpu.enqueue_dma source(%dma_start3A_5 : memref<512xf32, #tpu.memory_space<hbm>>) target(%arg15 : memref<512xf32, #tpu.memory_space<vmem>>) target_semaphore(%arg19 : memref<!tpu.dma_semaphore, #tpu.memory_space<semaphore_mem>>)
    %dma_start3A_6 = arith.constant 0 : i32
    %dma_start3A_7 = arith.constant 0 : i32
    %dma_start3A_8 = arith.constant 0 : i32
    %dma_start3A_9 = tpu.memref_slice %arg11[%dma_start3A_7, %dma_start3A_8] : memref<512x64xf32, #tpu.memory_space<vmem>> -> memref<128x64xf32, #tpu.memory_space<vmem>>
    %dma_start3A_10 = arith.constant 0 : i32
    %dma_start3A_11 = tpu.memref_slice %arg10[%dma_start3A_6, %dma_start3A_10] : memref<4x128xi32, #tpu.memory_space<vmem>> -> memref<1x128xi32, #tpu.memory_space<vmem>>
    %dma_start3A_12 = tpu.memref_squeeze %dma_start3A_11 : memref<1x128xi32, #tpu.memory_space<vmem>> -> memref<128xi32, #tpu.memory_space<vmem>>
    %dma_start3A_13 = arith.constant 0 : i32
    %dma_start3A_14 = arith.constant 0 : i32
    %dma_start3A_15 = tpu.memref_slice %arg2[%dma_start3A_13, %dma_start3A_14] : memref<100000x64xf32, #tpu.memory_space<hbm>> -> memref<100000x64xf32, #tpu.memory_space<hbm>>
    tpu.enqueue_indirect_dma source(%dma_start3A_15 : memref<100000x64xf32, #tpu.memory_space<hbm>>) target(%dma_start3A_9 : memref<128x64xf32, #tpu.memory_space<vmem>>) offsets(%dma_start3A_12 : memref<128xi32, #tpu.memory_space<vmem>>) semaphore(%arg16 : memref<!tpu.dma_semaphore, #tpu.memory_space<semaphore_mem>>)
    %dma_start3A_16 = arith.constant 0 : i32
    %dma_start3A_17 = arith.constant 0 : i32
    %dma_start3A_18 = arith.constant 0 : i32
    %dma_start3A_19 = tpu.memref_slice %arg12[%dma_start3A_17, %dma_start3A_18] : memref<512x64xf32, #tpu.memory_space<vmem>> -> memref<128x64xf32, #tpu.memory_space<vmem>>
    %dma_start3A_20 = arith.constant 0 : i32
    %dma_start3A_21 = tpu.memref_slice %arg10[%dma_start3A_16, %dma_start3A_20] : memref<4x128xi32, #tpu.memory_space<vmem>> -> memref<1x128xi32, #tpu.memory_space<vmem>>
    %dma_start3A_22 = tpu.memref_squeeze %dma_start3A_21 : memref<1x128xi32, #tpu.memory_space<vmem>> -> memref<128xi32, #tpu.memory_space<vmem>>
    %dma_start3A_23 = arith.constant 0 : i32
    %dma_start3A_24 = arith.constant 0 : i32
    %dma_start3A_25 = tpu.memref_slice %arg3[%dma_start3A_23, %dma_start3A_24] : memref<100000x64xf32, #tpu.memory_space<hbm>> -> memref<100000x64xf32, #tpu.memory_space<hbm>>
    tpu.enqueue_indirect_dma source(%dma_start3A_25 : memref<100000x64xf32, #tpu.memory_space<hbm>>) target(%dma_start3A_19 : memref<128x64xf32, #tpu.memory_space<vmem>>) offsets(%dma_start3A_22 : memref<128xi32, #tpu.memory_space<vmem>>) semaphore(%arg17 : memref<!tpu.dma_semaphore, #tpu.memory_space<semaphore_mem>>)
    %dma_start3A_26 = arith.constant 0 : i32
    %dma_start3A_27 = arith.constant 0 : i32
    %dma_start3A_28 = tpu.memref_slice %arg13[%dma_start3A_27] : memref<512xf32, #tpu.memory_space<vmem>> -> memref<128xf32, #tpu.memory_space<vmem>>
    %dma_start3A_29 = arith.constant 0 : i32
    %dma_start3A_30 = tpu.memref_slice %arg10[%dma_start3A_26, %dma_start3A_29] : memref<4x128xi32, #tpu.memory_space<vmem>> -> memref<1x128xi32, #tpu.memory_space<vmem>>
    %dma_start3A_31 = tpu.memref_squeeze %dma_start3A_30 : memref<1x128xi32, #tpu.memory_space<vmem>> -> memref<128xi32, #tpu.memory_space<vmem>>
    %dma_start3A_32 = arith.constant 0 : i32
    %dma_start3A_33 = tpu.memref_slice %arg4[%dma_start3A_32] : memref<100000xf32, #tpu.memory_space<hbm>> -> memref<100000xf32, #tpu.memory_space<hbm>>
    tpu.enqueue_indirect_dma source(%dma_start3A_33 : memref<100000xf32, #tpu.memory_space<hbm>>) target(%dma_start3A_28 : memref<128xf32, #tpu.memory_space<vmem>>) offsets(%dma_start3A_31 : memref<128xi32, #tpu.memory_space<vmem>>) semaphore(%arg18 : memref<!tpu.dma_semaphore, #tpu.memory_space<semaphore_mem>>)
    %dma_start3A_34 = arith.constant 0 : i32
    %dma_start3A_35 = arith.constant 0 : i32
    %dma_start3A_36 = tpu.memref_slice %arg14[%dma_start3A_35] : memref<512xf32, #tpu.memory_space<vmem>> -> memref<128xf32, #tpu.memory_space<vmem>>
    %dma_start3A_37 = arith.constant 0 : i32
    %dma_start3A_38 = tpu.memref_slice %arg10[%dma_start3A_34, %dma_start3A_37] : memref<4x128xi32, #tpu.memory_space<vmem>> -> memref<1x128xi32, #tpu.memory_space<vmem>>
    %dma_start3A_39 = tpu.memref_squeeze %dma_start3A_38 : memref<1x128xi32, #tpu.memory_space<vmem>> -> memref<128xi32, #tpu.memory_space<vmem>>
    %dma_start3A_40 = arith.constant 0 : i32
    %dma_start3A_41 = tpu.memref_slice %arg5[%dma_start3A_40] : memref<100000xf32, #tpu.memory_space<hbm>> -> memref<100000xf32, #tpu.memory_space<hbm>>
    tpu.enqueue_indirect_dma source(%dma_start3A_41 : memref<100000xf32, #tpu.memory_space<hbm>>) target(%dma_start3A_36 : memref<128xf32, #tpu.memory_space<vmem>>) offsets(%dma_start3A_39 : memref<128xi32, #tpu.memory_space<vmem>>) semaphore(%arg18 : memref<!tpu.dma_semaphore, #tpu.memory_space<semaphore_mem>>)
    %dma_start3A_42 = arith.constant 1 : i32
    %dma_start3A_43 = arith.constant 128 : i32
    %dma_start3A_44 = arith.constant 0 : i32
    %dma_start3A_45 = tpu.memref_slice %arg11[%dma_start3A_43, %dma_start3A_44] : memref<512x64xf32, #tpu.memory_space<vmem>> -> memref<128x64xf32, #tpu.memory_space<vmem>>
    %dma_start3A_46 = arith.constant 0 : i32
    %dma_start3A_47 = tpu.memref_slice %arg10[%dma_start3A_42, %dma_start3A_46] : memref<4x128xi32, #tpu.memory_space<vmem>> -> memref<1x128xi32, #tpu.memory_space<vmem>>
    %dma_start3A_48 = tpu.memref_squeeze %dma_start3A_47 : memref<1x128xi32, #tpu.memory_space<vmem>> -> memref<128xi32, #tpu.memory_space<vmem>>
    %dma_start3A_49 = arith.constant 0 : i32
    %dma_start3A_50 = arith.constant 0 : i32
    %dma_start3A_51 = tpu.memref_slice %arg2[%dma_start3A_49, %dma_start3A_50] : memref<100000x64xf32, #tpu.memory_space<hbm>> -> memref<100000x64xf32, #tpu.memory_space<hbm>>
    tpu.enqueue_indirect_dma source(%dma_start3A_51 : memref<100000x64xf32, #tpu.memory_space<hbm>>) target(%dma_start3A_45 : memref<128x64xf32, #tpu.memory_space<vmem>>) offsets(%dma_start3A_48 : memref<128xi32, #tpu.memory_space<vmem>>) semaphore(%arg16 : memref<!tpu.dma_semaphore, #tpu.memory_space<semaphore_mem>>)
    %dma_start3A_52 = arith.constant 1 : i32
    %dma_start3A_53 = arith.constant 128 : i32
    %dma_start3A_54 = arith.constant 0 : i32
    %dma_start3A_55 = tpu.memref_slice %arg12[%dma_start3A_53, %dma_start3A_54] : memref<512x64xf32, #tpu.memory_space<vmem>> -> memref<128x64xf32, #tpu.memory_space<vmem>>
    %dma_start3A_56 = arith.constant 0 : i32
    %dma_start3A_57 = tpu.memref_slice %arg10[%dma_start3A_52, %dma_start3A_56] : memref<4x128xi32, #tpu.memory_space<vmem>> -> memref<1x128xi32, #tpu.memory_space<vmem>>
    %dma_start3A_58 = tpu.memref_squeeze %dma_start3A_57 : memref<1x128xi32, #tpu.memory_space<vmem>> -> memref<128xi32, #tpu.memory_space<vmem>>
    %dma_start3A_59 = arith.constant 0 : i32
    %dma_start3A_60 = arith.constant 0 : i32
    %dma_start3A_61 = tpu.memref_slice %arg3[%dma_start3A_59, %dma_start3A_60] : memref<100000x64xf32, #tpu.memory_space<hbm>> -> memref<100000x64xf32, #tpu.memory_space<hbm>>
    tpu.enqueue_indirect_dma source(%dma_start3A_61 : memref<100000x64xf32, #tpu.memory_space<hbm>>) target(%dma_start3A_55 : memref<128x64xf32, #tpu.memory_space<vmem>>) offsets(%dma_start3A_58 : memref<128xi32, #tpu.memory_space<vmem>>) semaphore(%arg17 : memref<!tpu.dma_semaphore, #tpu.memory_space<semaphore_mem>>)
    %dma_start3A_62 = arith.constant 1 : i32
    %dma_start3A_63 = arith.constant 128 : i32
    %dma_start3A_64 = tpu.memref_slice %arg13[%dma_start3A_63] : memref<512xf32, #tpu.memory_space<vmem>> -> memref<128xf32, #tpu.memory_space<vmem>>
    %dma_start3A_65 = arith.constant 0 : i32
    %dma_start3A_66 = tpu.memref_slice %arg10[%dma_start3A_62, %dma_start3A_65] : memref<4x128xi32, #tpu.memory_space<vmem>> -> memref<1x128xi32, #tpu.memory_space<vmem>>
    %dma_start3A_67 = tpu.memref_squeeze %dma_start3A_66 : memref<1x128xi32, #tpu.memory_space<vmem>> -> memref<128xi32, #tpu.memory_space<vmem>>
    %dma_start3A_68 = arith.constant 0 : i32
    %dma_start3A_69 = tpu.memref_slice %arg4[%dma_start3A_68] : memref<100000xf32, #tpu.memory_space<hbm>> -> memref<100000xf32, #tpu.memory_space<hbm>>
    tpu.enqueue_indirect_dma source(%dma_start3A_69 : memref<100000xf32, #tpu.memory_space<hbm>>) target(%dma_start3A_64 : memref<128xf32, #tpu.memory_space<vmem>>) offsets(%dma_start3A_67 : memref<128xi32, #tpu.memory_space<vmem>>) semaphore(%arg18 : memref<!tpu.dma_semaphore, #tpu.memory_space<semaphore_mem>>)
    %dma_start3A_70 = arith.constant 1 : i32
    %dma_start3A_71 = arith.constant 128 : i32
    %dma_start3A_72 = tpu.memref_slice %arg14[%dma_start3A_71] : memref<512xf32, #tpu.memory_space<vmem>> -> memref<128xf32, #tpu.memory_space<vmem>>
    %dma_start3A_73 = arith.constant 0 : i32
    %dma_start3A_74 = tpu.memref_slice %arg10[%dma_start3A_70, %dma_start3A_73] : memref<4x128xi32, #tpu.memory_space<vmem>> -> memref<1x128xi32, #tpu.memory_space<vmem>>
    %dma_start3A_75 = tpu.memref_squeeze %dma_start3A_74 : memref<1x128xi32, #tpu.memory_space<vmem>> -> memref<128xi32, #tpu.memory_space<vmem>>
    %dma_start3A_76 = arith.constant 0 : i32
    %dma_start3A_77 = tpu.memref_slice %arg5[%dma_start3A_76] : memref<100000xf32, #tpu.memory_space<hbm>> -> memref<100000xf32, #tpu.memory_space<hbm>>
    tpu.enqueue_indirect_dma source(%dma_start3A_77 : memref<100000xf32, #tpu.memory_space<hbm>>) target(%dma_start3A_72 : memref<128xf32, #tpu.memory_space<vmem>>) offsets(%dma_start3A_75 : memref<128xi32, #tpu.memory_space<vmem>>) semaphore(%arg18 : memref<!tpu.dma_semaphore, #tpu.memory_space<semaphore_mem>>)
    %dma_start3A_78 = arith.constant 2 : i32
    %dma_start3A_79 = arith.constant 256 : i32
    %dma_start3A_80 = arith.constant 0 : i32
    %dma_start3A_81 = tpu.memref_slice %arg11[%dma_start3A_79, %dma_start3A_80] : memref<512x64xf32, #tpu.memory_space<vmem>> -> memref<128x64xf32, #tpu.memory_space<vmem>>
    %dma_start3A_82 = arith.constant 0 : i32
    %dma_start3A_83 = tpu.memref_slice %arg10[%dma_start3A_78, %dma_start3A_82] : memref<4x128xi32, #tpu.memory_space<vmem>> -> memref<1x128xi32, #tpu.memory_space<vmem>>
    %dma_start3A_84 = tpu.memref_squeeze %dma_start3A_83 : memref<1x128xi32, #tpu.memory_space<vmem>> -> memref<128xi32, #tpu.memory_space<vmem>>
    %dma_start3A_85 = arith.constant 0 : i32
    %dma_start3A_86 = arith.constant 0 : i32
    %dma_start3A_87 = tpu.memref_slice %arg2[%dma_start3A_85, %dma_start3A_86] : memref<100000x64xf32, #tpu.memory_space<hbm>> -> memref<100000x64xf32, #tpu.memory_space<hbm>>
    tpu.enqueue_indirect_dma source(%dma_start3A_87 : memref<100000x64xf32, #tpu.memory_space<hbm>>) target(%dma_start3A_81 : memref<128x64xf32, #tpu.memory_space<vmem>>) offsets(%dma_start3A_84 : memref<128xi32, #tpu.memory_space<vmem>>) semaphore(%arg16 : memref<!tpu.dma_semaphore, #tpu.memory_space<semaphore_mem>>)
    %dma_start3A_88 = arith.constant 2 : i32
    %dma_start3A_89 = arith.constant 256 : i32
    %dma_start3A_90 = arith.constant 0 : i32
    %dma_start3A_91 = tpu.memref_slice %arg12[%dma_start3A_89, %dma_start3A_90] : memref<512x64xf32, #tpu.memory_space<vmem>> -> memref<128x64xf32, #tpu.memory_space<vmem>>
    %dma_start3A_92 = arith.constant 0 : i32
    %dma_start3A_93 = tpu.memref_slice %arg10[%dma_start3A_88, %dma_start3A_92] : memref<4x128xi32, #tpu.memory_space<vmem>> -> memref<1x128xi32, #tpu.memory_space<vmem>>
    %dma_start3A_94 = tpu.memref_squeeze %dma_start3A_93 : memref<1x128xi32, #tpu.memory_space<vmem>> -> memref<128xi32, #tpu.memory_space<vmem>>
    %dma_start3A_95 = arith.constant 0 : i32
    %dma_start3A_96 = arith.constant 0 : i32
    %dma_start3A_97 = tpu.memref_slice %arg3[%dma_start3A_95, %dma_start3A_96] : memref<100000x64xf32, #tpu.memory_space<hbm>> -> memref<100000x64xf32, #tpu.memory_space<hbm>>
    tpu.enqueue_indirect_dma source(%dma_start3A_97 : memref<100000x64xf32, #tpu.memory_space<hbm>>) target(%dma_start3A_91 : memref<128x64xf32, #tpu.memory_space<vmem>>) offsets(%dma_start3A_94 : memref<128xi32, #tpu.memory_space<vmem>>) semaphore(%arg17 : memref<!tpu.dma_semaphore, #tpu.memory_space<semaphore_mem>>)
    %dma_start3A_98 = arith.constant 2 : i32
    %dma_start3A_99 = arith.constant 256 : i32
    %dma_start3A_100 = tpu.memref_slice %arg13[%dma_start3A_99] : memref<512xf32, #tpu.memory_space<vmem>> -> memref<128xf32, #tpu.memory_space<vmem>>
    %dma_start3A_101 = arith.constant 0 : i32
    %dma_start3A_102 = tpu.memref_slice %arg10[%dma_start3A_98, %dma_start3A_101] : memref<4x128xi32, #tpu.memory_space<vmem>> -> memref<1x128xi32, #tpu.memory_space<vmem>>
    %dma_start3A_103 = tpu.memref_squeeze %dma_start3A_102 : memref<1x128xi32, #tpu.memory_space<vmem>> -> memref<128xi32, #tpu.memory_space<vmem>>
    %dma_start3A_104 = arith.constant 0 : i32
    %dma_start3A_105 = tpu.memref_slice %arg4[%dma_start3A_104] : memref<100000xf32, #tpu.memory_space<hbm>> -> memref<100000xf32, #tpu.memory_space<hbm>>
    tpu.enqueue_indirect_dma source(%dma_start3A_105 : memref<100000xf32, #tpu.memory_space<hbm>>) target(%dma_start3A_100 : memref<128xf32, #tpu.memory_space<vmem>>) offsets(%dma_start3A_103 : memref<128xi32, #tpu.memory_space<vmem>>) semaphore(%arg18 : memref<!tpu.dma_semaphore, #tpu.memory_space<semaphore_mem>>)
    %dma_start3A_106 = arith.constant 2 : i32
    %dma_start3A_107 = arith.constant 256 : i32
    %dma_start3A_108 = tpu.memref_slice %arg14[%dma_start3A_107] : memref<512xf32, #tpu.memory_space<vmem>> -> memref<128xf32, #tpu.memory_space<vmem>>
    %dma_start3A_109 = arith.constant 0 : i32
    %dma_start3A_110 = tpu.memref_slice %arg10[%dma_start3A_106, %dma_start3A_109] : memref<4x128xi32, #tpu.memory_space<vmem>> -> memref<1x128xi32, #tpu.memory_space<vmem>>
    %dma_start3A_111 = tpu.memref_squeeze %dma_start3A_110 : memref<1x128xi32, #tpu.memory_space<vmem>> -> memref<128xi32, #tpu.memory_space<vmem>>
    %dma_start3A_112 = arith.constant 0 : i32
    %dma_start3A_113 = tpu.memref_slice %arg5[%dma_start3A_112] : memref<100000xf32, #tpu.memory_space<hbm>> -> memref<100000xf32, #tpu.memory_space<hbm>>
    tpu.enqueue_indirect_dma source(%dma_start3A_113 : memref<100000xf32, #tpu.memory_space<hbm>>) target(%dma_start3A_108 : memref<128xf32, #tpu.memory_space<vmem>>) offsets(%dma_start3A_111 : memref<128xi32, #tpu.memory_space<vmem>>) semaphore(%arg18 : memref<!tpu.dma_semaphore, #tpu.memory_space<semaphore_mem>>)
    %dma_start3A_114 = arith.constant 3 : i32
    %dma_start3A_115 = arith.constant 384 : i32
    %dma_start3A_116 = arith.constant 0 : i32
    %dma_start3A_117 = tpu.memref_slice %arg11[%dma_start3A_115, %dma_start3A_116] : memref<512x64xf32, #tpu.memory_space<vmem>> -> memref<128x64xf32, #tpu.memory_space<vmem>>
    %dma_start3A_118 = arith.constant 0 : i32
    %dma_start3A_119 = tpu.memref_slice %arg10[%dma_start3A_114, %dma_start3A_118] : memref<4x128xi32, #tpu.memory_space<vmem>> -> memref<1x128xi32, #tpu.memory_space<vmem>>
    %dma_start3A_120 = tpu.memref_squeeze %dma_start3A_119 : memref<1x128xi32, #tpu.memory_space<vmem>> -> memref<128xi32, #tpu.memory_space<vmem>>
    %dma_start3A_121 = arith.constant 0 : i32
    %dma_start3A_122 = arith.constant 0 : i32
    %dma_start3A_123 = tpu.memref_slice %arg2[%dma_start3A_121, %dma_start3A_122] : memref<100000x64xf32, #tpu.memory_space<hbm>> -> memref<100000x64xf32, #tpu.memory_space<hbm>>
    tpu.enqueue_indirect_dma source(%dma_start3A_123 : memref<100000x64xf32, #tpu.memory_space<hbm>>) target(%dma_start3A_117 : memref<128x64xf32, #tpu.memory_space<vmem>>) offsets(%dma_start3A_120 : memref<128xi32, #tpu.memory_space<vmem>>) semaphore(%arg16 : memref<!tpu.dma_semaphore, #tpu.memory_space<semaphore_mem>>)
    %dma_start3A_124 = arith.constant 3 : i32
    %dma_start3A_125 = arith.constant 384 : i32
    %dma_start3A_126 = arith.constant 0 : i32
    %dma_start3A_127 = tpu.memref_slice %arg12[%dma_start3A_125, %dma_start3A_126] : memref<512x64xf32, #tpu.memory_space<vmem>> -> memref<128x64xf32, #tpu.memory_space<vmem>>
    %dma_start3A_128 = arith.constant 0 : i32
    %dma_start3A_129 = tpu.memref_slice %arg10[%dma_start3A_124, %dma_start3A_128] : memref<4x128xi32, #tpu.memory_space<vmem>> -> memref<1x128xi32, #tpu.memory_space<vmem>>
    %dma_start3A_130 = tpu.memref_squeeze %dma_start3A_129 : memref<1x128xi32, #tpu.memory_space<vmem>> -> memref<128xi32, #tpu.memory_space<vmem>>
    %dma_start3A_131 = arith.constant 0 : i32
    %dma_start3A_132 = arith.constant 0 : i32
    %dma_start3A_133 = tpu.memref_slice %arg3[%dma_start3A_131, %dma_start3A_132] : memref<100000x64xf32, #tpu.memory_space<hbm>> -> memref<100000x64xf32, #tpu.memory_space<hbm>>
    tpu.enqueue_indirect_dma source(%dma_start3A_133 : memref<100000x64xf32, #tpu.memory_space<hbm>>) target(%dma_start3A_127 : memref<128x64xf32, #tpu.memory_space<vmem>>) offsets(%dma_start3A_130 : memref<128xi32, #tpu.memory_space<vmem>>) semaphore(%arg17 : memref<!tpu.dma_semaphore, #tpu.memory_space<semaphore_mem>>)
    %dma_start3A_134 = arith.constant 3 : i32
    %dma_start3A_135 = arith.constant 384 : i32
    %dma_start3A_136 = tpu.memref_slice %arg13[%dma_start3A_135] : memref<512xf32, #tpu.memory_space<vmem>> -> memref<128xf32, #tpu.memory_space<vmem>>
    %dma_start3A_137 = arith.constant 0 : i32
    %dma_start3A_138 = tpu.memref_slice %arg10[%dma_start3A_134, %dma_start3A_137] : memref<4x128xi32, #tpu.memory_space<vmem>> -> memref<1x128xi32, #tpu.memory_space<vmem>>
    %dma_start3A_139 = tpu.memref_squeeze %dma_start3A_138 : memref<1x128xi32, #tpu.memory_space<vmem>> -> memref<128xi32, #tpu.memory_space<vmem>>
    %dma_start3A_140 = arith.constant 0 : i32
    %dma_start3A_141 = tpu.memref_slice %arg4[%dma_start3A_140] : memref<100000xf32, #tpu.memory_space<hbm>> -> memref<100000xf32, #tpu.memory_space<hbm>>
    tpu.enqueue_indirect_dma source(%dma_start3A_141 : memref<100000xf32, #tpu.memory_space<hbm>>) target(%dma_start3A_136 : memref<128xf32, #tpu.memory_space<vmem>>) offsets(%dma_start3A_139 : memref<128xi32, #tpu.memory_space<vmem>>) semaphore(%arg18 : memref<!tpu.dma_semaphore, #tpu.memory_space<semaphore_mem>>)
    %dma_start3A_142 = arith.constant 3 : i32
    %dma_start3A_143 = arith.constant 384 : i32
    %dma_start3A_144 = tpu.memref_slice %arg14[%dma_start3A_143] : memref<512xf32, #tpu.memory_space<vmem>> -> memref<128xf32, #tpu.memory_space<vmem>>
    %dma_start3A_145 = arith.constant 0 : i32
    %dma_start3A_146 = tpu.memref_slice %arg10[%dma_start3A_142, %dma_start3A_145] : memref<4x128xi32, #tpu.memory_space<vmem>> -> memref<1x128xi32, #tpu.memory_space<vmem>>
    %dma_start3A_147 = tpu.memref_squeeze %dma_start3A_146 : memref<1x128xi32, #tpu.memory_space<vmem>> -> memref<128xi32, #tpu.memory_space<vmem>>
    %dma_start3A_148 = arith.constant 0 : i32
    %dma_start3A_149 = tpu.memref_slice %arg5[%dma_start3A_148] : memref<100000xf32, #tpu.memory_space<hbm>> -> memref<100000xf32, #tpu.memory_space<hbm>>
    tpu.enqueue_indirect_dma source(%dma_start3A_149 : memref<100000xf32, #tpu.memory_space<hbm>>) target(%dma_start3A_144 : memref<128xf32, #tpu.memory_space<vmem>>) offsets(%dma_start3A_147 : memref<128xi32, #tpu.memory_space<vmem>>) semaphore(%arg18 : memref<!tpu.dma_semaphore, #tpu.memory_space<semaphore_mem>>)
    %dma_wait3A = arith.constant 0 : i32
    %dma_wait3A_150 = arith.constant 0 : i32
    %dma_wait3A_151 = arith.constant 0 : i32
    %dma_wait3A_152 = tpu.memref_slice %arg11[%dma_wait3A_150, %dma_wait3A_151] : memref<512x64xf32, #tpu.memory_space<vmem>> -> memref<128x64xf32, #tpu.memory_space<vmem>>
    %dma_wait3A_153 = arith.constant 0 : i32
    %dma_wait3A_154 = tpu.memref_slice %arg10[%dma_wait3A, %dma_wait3A_153] : memref<4x128xi32, #tpu.memory_space<vmem>> -> memref<1x128xi32, #tpu.memory_space<vmem>>
    %dma_wait3A_155 = tpu.memref_squeeze %dma_wait3A_154 : memref<1x128xi32, #tpu.memory_space<vmem>> -> memref<128xi32, #tpu.memory_space<vmem>>
    %dma_wait3A_156 = arith.constant 0 : i32
    %dma_wait3A_157 = arith.constant 0 : i32
    %dma_wait3A_158 = tpu.memref_slice %arg2[%dma_wait3A_156, %dma_wait3A_157] : memref<100000x64xf32, #tpu.memory_space<hbm>> -> memref<100000x64xf32, #tpu.memory_space<hbm>>
    tpu.wait_indirect_dma semaphore(%arg16 : memref<!tpu.dma_semaphore, #tpu.memory_space<semaphore_mem>>) src(%dma_wait3A_158 : memref<100000x64xf32, #tpu.memory_space<hbm>>) dst(%dma_wait3A_152 : memref<128x64xf32, #tpu.memory_space<vmem>>)
    %dma_wait3A_159 = arith.constant 0 : i32
    %dma_wait3A_160 = arith.constant 0 : i32
    %dma_wait3A_161 = arith.constant 0 : i32
    %dma_wait3A_162 = tpu.memref_slice %arg12[%dma_wait3A_160, %dma_wait3A_161] : memref<512x64xf32, #tpu.memory_space<vmem>> -> memref<128x64xf32, #tpu.memory_space<vmem>>
    %dma_wait3A_163 = arith.constant 0 : i32
    %dma_wait3A_164 = tpu.memref_slice %arg10[%dma_wait3A_159, %dma_wait3A_163] : memref<4x128xi32, #tpu.memory_space<vmem>> -> memref<1x128xi32, #tpu.memory_space<vmem>>
    %dma_wait3A_165 = tpu.memref_squeeze %dma_wait3A_164 : memref<1x128xi32, #tpu.memory_space<vmem>> -> memref<128xi32, #tpu.memory_space<vmem>>
    %dma_wait3A_166 = arith.constant 0 : i32
    %dma_wait3A_167 = arith.constant 0 : i32
    %dma_wait3A_168 = tpu.memref_slice %arg3[%dma_wait3A_166, %dma_wait3A_167] : memref<100000x64xf32, #tpu.memory_space<hbm>> -> memref<100000x64xf32, #tpu.memory_space<hbm>>
    tpu.wait_indirect_dma semaphore(%arg17 : memref<!tpu.dma_semaphore, #tpu.memory_space<semaphore_mem>>) src(%dma_wait3A_168 : memref<100000x64xf32, #tpu.memory_space<hbm>>) dst(%dma_wait3A_162 : memref<128x64xf32, #tpu.memory_space<vmem>>)
    %dma_wait3A_169 = arith.constant 0 : i32
    %dma_wait3A_170 = arith.constant 0 : i32
    %dma_wait3A_171 = tpu.memref_slice %arg13[%dma_wait3A_170] : memref<512xf32, #tpu.memory_space<vmem>> -> memref<128xf32, #tpu.memory_space<vmem>>
    %dma_wait3A_172 = arith.constant 0 : i32
    %dma_wait3A_173 = tpu.memref_slice %arg10[%dma_wait3A_169, %dma_wait3A_172] : memref<4x128xi32, #tpu.memory_space<vmem>> -> memref<1x128xi32, #tpu.memory_space<vmem>>
    %dma_wait3A_174 = tpu.memref_squeeze %dma_wait3A_173 : memref<1x128xi32, #tpu.memory_space<vmem>> -> memref<128xi32, #tpu.memory_space<vmem>>
    %dma_wait3A_175 = arith.constant 0 : i32
    %dma_wait3A_176 = tpu.memref_slice %arg4[%dma_wait3A_175] : memref<100000xf32, #tpu.memory_space<hbm>> -> memref<100000xf32, #tpu.memory_space<hbm>>
    tpu.wait_indirect_dma semaphore(%arg18 : memref<!tpu.dma_semaphore, #tpu.memory_space<semaphore_mem>>) src(%dma_wait3A_176 : memref<100000xf32, #tpu.memory_space<hbm>>) dst(%dma_wait3A_171 : memref<128xf32, #tpu.memory_space<vmem>>)
    %dma_wait3A_177 = arith.constant 0 : i32
    %dma_wait3A_178 = arith.constant 0 : i32
    %dma_wait3A_179 = tpu.memref_slice %arg14[%dma_wait3A_178] : memref<512xf32, #tpu.memory_space<vmem>> -> memref<128xf32, #tpu.memory_space<vmem>>
    %dma_wait3A_180 = arith.constant 0 : i32
    %dma_wait3A_181 = tpu.memref_slice %arg10[%dma_wait3A_177, %dma_wait3A_180] : memref<4x128xi32, #tpu.memory_space<vmem>> -> memref<1x128xi32, #tpu.memory_space<vmem>>
    %dma_wait3A_182 = tpu.memref_squeeze %dma_wait3A_181 : memref<1x128xi32, #tpu.memory_space<vmem>> -> memref<128xi32, #tpu.memory_space<vmem>>
    %dma_wait3A_183 = arith.constant 0 : i32
    %dma_wait3A_184 = tpu.memref_slice %arg5[%dma_wait3A_183] : memref<100000xf32, #tpu.memory_space<hbm>> -> memref<100000xf32, #tpu.memory_space<hbm>>
    tpu.wait_indirect_dma semaphore(%arg18 : memref<!tpu.dma_semaphore, #tpu.memory_space<semaphore_mem>>) src(%dma_wait3A_184 : memref<100000xf32, #tpu.memory_space<hbm>>) dst(%dma_wait3A_179 : memref<128xf32, #tpu.memory_space<vmem>>)
    %dma_wait3A_185 = arith.constant 1 : i32
    %dma_wait3A_186 = arith.constant 128 : i32
    %dma_wait3A_187 = arith.constant 0 : i32
    %dma_wait3A_188 = tpu.memref_slice %arg11[%dma_wait3A_186, %dma_wait3A_187] : memref<512x64xf32, #tpu.memory_space<vmem>> -> memref<128x64xf32, #tpu.memory_space<vmem>>
    %dma_wait3A_189 = arith.constant 0 : i32
    %dma_wait3A_190 = tpu.memref_slice %arg10[%dma_wait3A_185, %dma_wait3A_189] : memref<4x128xi32, #tpu.memory_space<vmem>> -> memref<1x128xi32, #tpu.memory_space<vmem>>
    %dma_wait3A_191 = tpu.memref_squeeze %dma_wait3A_190 : memref<1x128xi32, #tpu.memory_space<vmem>> -> memref<128xi32, #tpu.memory_space<vmem>>
    %dma_wait3A_192 = arith.constant 0 : i32
    %dma_wait3A_193 = arith.constant 0 : i32
    %dma_wait3A_194 = tpu.memref_slice %arg2[%dma_wait3A_192, %dma_wait3A_193] : memref<100000x64xf32, #tpu.memory_space<hbm>> -> memref<100000x64xf32, #tpu.memory_space<hbm>>
    tpu.wait_indirect_dma semaphore(%arg16 : memref<!tpu.dma_semaphore, #tpu.memory_space<semaphore_mem>>) src(%dma_wait3A_194 : memref<100000x64xf32, #tpu.memory_space<hbm>>) dst(%dma_wait3A_188 : memref<128x64xf32, #tpu.memory_space<vmem>>)
    %dma_wait3A_195 = arith.constant 1 : i32
    %dma_wait3A_196 = arith.constant 128 : i32
    %dma_wait3A_197 = arith.constant 0 : i32
    %dma_wait3A_198 = tpu.memref_slice %arg12[%dma_wait3A_196, %dma_wait3A_197] : memref<512x64xf32, #tpu.memory_space<vmem>> -> memref<128x64xf32, #tpu.memory_space<vmem>>
    %dma_wait3A_199 = arith.constant 0 : i32
    %dma_wait3A_200 = tpu.memref_slice %arg10[%dma_wait3A_195, %dma_wait3A_199] : memref<4x128xi32, #tpu.memory_space<vmem>> -> memref<1x128xi32, #tpu.memory_space<vmem>>
    %dma_wait3A_201 = tpu.memref_squeeze %dma_wait3A_200 : memref<1x128xi32, #tpu.memory_space<vmem>> -> memref<128xi32, #tpu.memory_space<vmem>>
    %dma_wait3A_202 = arith.constant 0 : i32
    %dma_wait3A_203 = arith.constant 0 : i32
    %dma_wait3A_204 = tpu.memref_slice %arg3[%dma_wait3A_202, %dma_wait3A_203] : memref<100000x64xf32, #tpu.memory_space<hbm>> -> memref<100000x64xf32, #tpu.memory_space<hbm>>
    tpu.wait_indirect_dma semaphore(%arg17 : memref<!tpu.dma_semaphore, #tpu.memory_space<semaphore_mem>>) src(%dma_wait3A_204 : memref<100000x64xf32, #tpu.memory_space<hbm>>) dst(%dma_wait3A_198 : memref<128x64xf32, #tpu.memory_space<vmem>>)
    %dma_wait3A_205 = arith.constant 1 : i32
    %dma_wait3A_206 = arith.constant 128 : i32
    %dma_wait3A_207 = tpu.memref_slice %arg13[%dma_wait3A_206] : memref<512xf32, #tpu.memory_space<vmem>> -> memref<128xf32, #tpu.memory_space<vmem>>
    %dma_wait3A_208 = arith.constant 0 : i32
    %dma_wait3A_209 = tpu.memref_slice %arg10[%dma_wait3A_205, %dma_wait3A_208] : memref<4x128xi32, #tpu.memory_space<vmem>> -> memref<1x128xi32, #tpu.memory_space<vmem>>
    %dma_wait3A_210 = tpu.memref_squeeze %dma_wait3A_209 : memref<1x128xi32, #tpu.memory_space<vmem>> -> memref<128xi32, #tpu.memory_space<vmem>>
    %dma_wait3A_211 = arith.constant 0 : i32
    %dma_wait3A_212 = tpu.memref_slice %arg4[%dma_wait3A_211] : memref<100000xf32, #tpu.memory_space<hbm>> -> memref<100000xf32, #tpu.memory_space<hbm>>
    tpu.wait_indirect_dma semaphore(%arg18 : memref<!tpu.dma_semaphore, #tpu.memory_space<semaphore_mem>>) src(%dma_wait3A_212 : memref<100000xf32, #tpu.memory_space<hbm>>) dst(%dma_wait3A_207 : memref<128xf32, #tpu.memory_space<vmem>>)
    %dma_wait3A_213 = arith.constant 1 : i32
    %dma_wait3A_214 = arith.constant 128 : i32
    %dma_wait3A_215 = tpu.memref_slice %arg14[%dma_wait3A_214] : memref<512xf32, #tpu.memory_space<vmem>> -> memref<128xf32, #tpu.memory_space<vmem>>
    %dma_wait3A_216 = arith.constant 0 : i32
    %dma_wait3A_217 = tpu.memref_slice %arg10[%dma_wait3A_213, %dma_wait3A_216] : memref<4x128xi32, #tpu.memory_space<vmem>> -> memref<1x128xi32, #tpu.memory_space<vmem>>
    %dma_wait3A_218 = tpu.memref_squeeze %dma_wait3A_217 : memref<1x128xi32, #tpu.memory_space<vmem>> -> memref<128xi32, #tpu.memory_space<vmem>>
    %dma_wait3A_219 = arith.constant 0 : i32
    %dma_wait3A_220 = tpu.memref_slice %arg5[%dma_wait3A_219] : memref<100000xf32, #tpu.memory_space<hbm>> -> memref<100000xf32, #tpu.memory_space<hbm>>
    tpu.wait_indirect_dma semaphore(%arg18 : memref<!tpu.dma_semaphore, #tpu.memory_space<semaphore_mem>>) src(%dma_wait3A_220 : memref<100000xf32, #tpu.memory_space<hbm>>) dst(%dma_wait3A_215 : memref<128xf32, #tpu.memory_space<vmem>>)
    %dma_wait3A_221 = arith.constant 2 : i32
    %dma_wait3A_222 = arith.constant 256 : i32
    %dma_wait3A_223 = arith.constant 0 : i32
    %dma_wait3A_224 = tpu.memref_slice %arg11[%dma_wait3A_222, %dma_wait3A_223] : memref<512x64xf32, #tpu.memory_space<vmem>> -> memref<128x64xf32, #tpu.memory_space<vmem>>
    %dma_wait3A_225 = arith.constant 0 : i32
    %dma_wait3A_226 = tpu.memref_slice %arg10[%dma_wait3A_221, %dma_wait3A_225] : memref<4x128xi32, #tpu.memory_space<vmem>> -> memref<1x128xi32, #tpu.memory_space<vmem>>
    %dma_wait3A_227 = tpu.memref_squeeze %dma_wait3A_226 : memref<1x128xi32, #tpu.memory_space<vmem>> -> memref<128xi32, #tpu.memory_space<vmem>>
    %dma_wait3A_228 = arith.constant 0 : i32
    %dma_wait3A_229 = arith.constant 0 : i32
    %dma_wait3A_230 = tpu.memref_slice %arg2[%dma_wait3A_228, %dma_wait3A_229] : memref<100000x64xf32, #tpu.memory_space<hbm>> -> memref<100000x64xf32, #tpu.memory_space<hbm>>
    tpu.wait_indirect_dma semaphore(%arg16 : memref<!tpu.dma_semaphore, #tpu.memory_space<semaphore_mem>>) src(%dma_wait3A_230 : memref<100000x64xf32, #tpu.memory_space<hbm>>) dst(%dma_wait3A_224 : memref<128x64xf32, #tpu.memory_space<vmem>>)
    %dma_wait3A_231 = arith.constant 2 : i32
    %dma_wait3A_232 = arith.constant 256 : i32
    %dma_wait3A_233 = arith.constant 0 : i32
    %dma_wait3A_234 = tpu.memref_slice %arg12[%dma_wait3A_232, %dma_wait3A_233] : memref<512x64xf32, #tpu.memory_space<vmem>> -> memref<128x64xf32, #tpu.memory_space<vmem>>
    %dma_wait3A_235 = arith.constant 0 : i32
    %dma_wait3A_236 = tpu.memref_slice %arg10[%dma_wait3A_231, %dma_wait3A_235] : memref<4x128xi32, #tpu.memory_space<vmem>> -> memref<1x128xi32, #tpu.memory_space<vmem>>
    %dma_wait3A_237 = tpu.memref_squeeze %dma_wait3A_236 : memref<1x128xi32, #tpu.memory_space<vmem>> -> memref<128xi32, #tpu.memory_space<vmem>>
    %dma_wait3A_238 = arith.constant 0 : i32
    %dma_wait3A_239 = arith.constant 0 : i32
    %dma_wait3A_240 = tpu.memref_slice %arg3[%dma_wait3A_238, %dma_wait3A_239] : memref<100000x64xf32, #tpu.memory_space<hbm>> -> memref<100000x64xf32, #tpu.memory_space<hbm>>
    tpu.wait_indirect_dma semaphore(%arg17 : memref<!tpu.dma_semaphore, #tpu.memory_space<semaphore_mem>>) src(%dma_wait3A_240 : memref<100000x64xf32, #tpu.memory_space<hbm>>) dst(%dma_wait3A_234 : memref<128x64xf32, #tpu.memory_space<vmem>>)
    %dma_wait3A_241 = arith.constant 2 : i32
    %dma_wait3A_242 = arith.constant 256 : i32
    %dma_wait3A_243 = tpu.memref_slice %arg13[%dma_wait3A_242] : memref<512xf32, #tpu.memory_space<vmem>> -> memref<128xf32, #tpu.memory_space<vmem>>
    %dma_wait3A_244 = arith.constant 0 : i32
    %dma_wait3A_245 = tpu.memref_slice %arg10[%dma_wait3A_241, %dma_wait3A_244] : memref<4x128xi32, #tpu.memory_space<vmem>> -> memref<1x128xi32, #tpu.memory_space<vmem>>
    %dma_wait3A_246 = tpu.memref_squeeze %dma_wait3A_245 : memref<1x128xi32, #tpu.memory_space<vmem>> -> memref<128xi32, #tpu.memory_space<vmem>>
    %dma_wait3A_247 = arith.constant 0 : i32
    %dma_wait3A_248 = tpu.memref_slice %arg4[%dma_wait3A_247] : memref<100000xf32, #tpu.memory_space<hbm>> -> memref<100000xf32, #tpu.memory_space<hbm>>
    tpu.wait_indirect_dma semaphore(%arg18 : memref<!tpu.dma_semaphore, #tpu.memory_space<semaphore_mem>>) src(%dma_wait3A_248 : memref<100000xf32, #tpu.memory_space<hbm>>) dst(%dma_wait3A_243 : memref<128xf32, #tpu.memory_space<vmem>>)
    %dma_wait3A_249 = arith.constant 2 : i32
    %dma_wait3A_250 = arith.constant 256 : i32
    %dma_wait3A_251 = tpu.memref_slice %arg14[%dma_wait3A_250] : memref<512xf32, #tpu.memory_space<vmem>> -> memref<128xf32, #tpu.memory_space<vmem>>
    %dma_wait3A_252 = arith.constant 0 : i32
    %dma_wait3A_253 = tpu.memref_slice %arg10[%dma_wait3A_249, %dma_wait3A_252] : memref<4x128xi32, #tpu.memory_space<vmem>> -> memref<1x128xi32, #tpu.memory_space<vmem>>
    %dma_wait3A_254 = tpu.memref_squeeze %dma_wait3A_253 : memref<1x128xi32, #tpu.memory_space<vmem>> -> memref<128xi32, #tpu.memory_space<vmem>>
    %dma_wait3A_255 = arith.constant 0 : i32
    %dma_wait3A_256 = tpu.memref_slice %arg5[%dma_wait3A_255] : memref<100000xf32, #tpu.memory_space<hbm>> -> memref<100000xf32, #tpu.memory_space<hbm>>
    tpu.wait_indirect_dma semaphore(%arg18 : memref<!tpu.dma_semaphore, #tpu.memory_space<semaphore_mem>>) src(%dma_wait3A_256 : memref<100000xf32, #tpu.memory_space<hbm>>) dst(%dma_wait3A_251 : memref<128xf32, #tpu.memory_space<vmem>>)
    %dma_wait3A_257 = arith.constant 3 : i32
    %dma_wait3A_258 = arith.constant 384 : i32
    %dma_wait3A_259 = arith.constant 0 : i32
    %dma_wait3A_260 = tpu.memref_slice %arg11[%dma_wait3A_258, %dma_wait3A_259] : memref<512x64xf32, #tpu.memory_space<vmem>> -> memref<128x64xf32, #tpu.memory_space<vmem>>
    %dma_wait3A_261 = arith.constant 0 : i32
    %dma_wait3A_262 = tpu.memref_slice %arg10[%dma_wait3A_257, %dma_wait3A_261] : memref<4x128xi32, #tpu.memory_space<vmem>> -> memref<1x128xi32, #tpu.memory_space<vmem>>
    %dma_wait3A_263 = tpu.memref_squeeze %dma_wait3A_262 : memref<1x128xi32, #tpu.memory_space<vmem>> -> memref<128xi32, #tpu.memory_space<vmem>>
    %dma_wait3A_264 = arith.constant 0 : i32
    %dma_wait3A_265 = arith.constant 0 : i32
    %dma_wait3A_266 = tpu.memref_slice %arg2[%dma_wait3A_264, %dma_wait3A_265] : memref<100000x64xf32, #tpu.memory_space<hbm>> -> memref<100000x64xf32, #tpu.memory_space<hbm>>
    tpu.wait_indirect_dma semaphore(%arg16 : memref<!tpu.dma_semaphore, #tpu.memory_space<semaphore_mem>>) src(%dma_wait3A_266 : memref<100000x64xf32, #tpu.memory_space<hbm>>) dst(%dma_wait3A_260 : memref<128x64xf32, #tpu.memory_space<vmem>>)
    %dma_wait3A_267 = arith.constant 3 : i32
    %dma_wait3A_268 = arith.constant 384 : i32
    %dma_wait3A_269 = arith.constant 0 : i32
    %dma_wait3A_270 = tpu.memref_slice %arg12[%dma_wait3A_268, %dma_wait3A_269] : memref<512x64xf32, #tpu.memory_space<vmem>> -> memref<128x64xf32, #tpu.memory_space<vmem>>
    %dma_wait3A_271 = arith.constant 0 : i32
    %dma_wait3A_272 = tpu.memref_slice %arg10[%dma_wait3A_267, %dma_wait3A_271] : memref<4x128xi32, #tpu.memory_space<vmem>> -> memref<1x128xi32, #tpu.memory_space<vmem>>
    %dma_wait3A_273 = tpu.memref_squeeze %dma_wait3A_272 : memref<1x128xi32, #tpu.memory_space<vmem>> -> memref<128xi32, #tpu.memory_space<vmem>>
    %dma_wait3A_274 = arith.constant 0 : i32
    %dma_wait3A_275 = arith.constant 0 : i32
    %dma_wait3A_276 = tpu.memref_slice %arg3[%dma_wait3A_274, %dma_wait3A_275] : memref<100000x64xf32, #tpu.memory_space<hbm>> -> memref<100000x64xf32, #tpu.memory_space<hbm>>
    tpu.wait_indirect_dma semaphore(%arg17 : memref<!tpu.dma_semaphore, #tpu.memory_space<semaphore_mem>>) src(%dma_wait3A_276 : memref<100000x64xf32, #tpu.memory_space<hbm>>) dst(%dma_wait3A_270 : memref<128x64xf32, #tpu.memory_space<vmem>>)
    %dma_wait3A_277 = arith.constant 3 : i32
    %dma_wait3A_278 = arith.constant 384 : i32
    %dma_wait3A_279 = tpu.memref_slice %arg13[%dma_wait3A_278] : memref<512xf32, #tpu.memory_space<vmem>> -> memref<128xf32, #tpu.memory_space<vmem>>
    %dma_wait3A_280 = arith.constant 0 : i32
    %dma_wait3A_281 = tpu.memref_slice %arg10[%dma_wait3A_277, %dma_wait3A_280] : memref<4x128xi32, #tpu.memory_space<vmem>> -> memref<1x128xi32, #tpu.memory_space<vmem>>
    %dma_wait3A_282 = tpu.memref_squeeze %dma_wait3A_281 : memref<1x128xi32, #tpu.memory_space<vmem>> -> memref<128xi32, #tpu.memory_space<vmem>>
    %dma_wait3A_283 = arith.constant 0 : i32
    %dma_wait3A_284 = tpu.memref_slice %arg4[%dma_wait3A_283] : memref<100000xf32, #tpu.memory_space<hbm>> -> memref<100000xf32, #tpu.memory_space<hbm>>
    tpu.wait_indirect_dma semaphore(%arg18 : memref<!tpu.dma_semaphore, #tpu.memory_space<semaphore_mem>>) src(%dma_wait3A_284 : memref<100000xf32, #tpu.memory_space<hbm>>) dst(%dma_wait3A_279 : memref<128xf32, #tpu.memory_space<vmem>>)
    %dma_wait3A_285 = arith.constant 3 : i32
    %dma_wait3A_286 = arith.constant 384 : i32
    %dma_wait3A_287 = tpu.memref_slice %arg14[%dma_wait3A_286] : memref<512xf32, #tpu.memory_space<vmem>> -> memref<128xf32, #tpu.memory_space<vmem>>
    %dma_wait3A_288 = arith.constant 0 : i32
    %dma_wait3A_289 = tpu.memref_slice %arg10[%dma_wait3A_285, %dma_wait3A_288] : memref<4x128xi32, #tpu.memory_space<vmem>> -> memref<1x128xi32, #tpu.memory_space<vmem>>
    %dma_wait3A_290 = tpu.memref_squeeze %dma_wait3A_289 : memref<1x128xi32, #tpu.memory_space<vmem>> -> memref<128xi32, #tpu.memory_space<vmem>>
    %dma_wait3A_291 = arith.constant 0 : i32
    %dma_wait3A_292 = tpu.memref_slice %arg5[%dma_wait3A_291] : memref<100000xf32, #tpu.memory_space<hbm>> -> memref<100000xf32, #tpu.memory_space<hbm>>
    tpu.wait_indirect_dma semaphore(%arg18 : memref<!tpu.dma_semaphore, #tpu.memory_space<semaphore_mem>>) src(%dma_wait3A_292 : memref<100000xf32, #tpu.memory_space<hbm>>) dst(%dma_wait3A_287 : memref<128xf32, #tpu.memory_space<vmem>>)
    %dma_wait3A_293 = tpu.memref_slice %arg6[%mul3A_2] : memref<16384xf32, #tpu.memory_space<hbm>> -> memref<512xf32, #tpu.memory_space<hbm>>
    %dma_wait3A_294 = tpu.memref_slice %arg6[%mul3A_2] : memref<16384xf32, #tpu.memory_space<hbm>> -> memref<512xf32, #tpu.memory_space<hbm>>
    tpu.wait_dma2 semaphore(%arg19 : memref<!tpu.dma_semaphore, #tpu.memory_space<semaphore_mem>>) src(%dma_wait3A_294 : memref<512xf32, #tpu.memory_space<hbm>>) dst(%arg15 : memref<512xf32, #tpu.memory_space<vmem>>)
    %get3A = arith.constant 0 : index
    %get3A_295 = tpu.vector_load %arg13[%get3A] {strides = array<i32>} : memref<512xf32, #tpu.memory_space<vmem>>, vector<16xf32>,
    %get3A_296 = vector.shape_cast %get3A_295 : vector<16xf32> to vector<16xf32>
    %get3A_297 = arith.constant 0 : index
    %get3A_298 = tpu.vector_load %arg15[%get3A_297] {strides = array<i32>} : memref<512xf32, #tpu.memory_space<vmem>>, vector<16xf32>,
    %get3A_299 = vector.shape_cast %get3A_298 : vector<16xf32> to vector<16xf32>
    %get3A_300 = arith.constant 0 : index
    %get3A_301 = tpu.vector_load %arg14[%get3A_300] {strides = array<i32>} : memref<512xf32, #tpu.memory_space<vmem>>, vector<16xf32>,
    %get3A_302 = vector.shape_cast %get3A_301 : vector<16xf32> to vector<16xf32>
    %mul3A_303 = arith.constant 5.000000e-01 : f32
    %mul3A_304 = vector.broadcast %mul3A_303 : f32 to vector<16xf32>
    %mul3A_305 = arith.mulf %mul3A_304, %get3A_302 : vector<16xf32>
    %exp3A = math.exp %mul3A_305 : vector<16xf32>
    %mul3A_306 = arith.mulf %get3A_299, %exp3A : vector<16xf32>
    %add3A_307 = arith.addf %get3A_296, %mul3A_306 : vector<16xf32>
    %swap3A = arith.constant 0 : index
    %swap3A_308 = tpu.vector_load %arg13[%swap3A] {strides = array<i32>} : memref<512xf32, #tpu.memory_space<vmem>>, vector<16xf32>,
    %swap3A_309 = vector.shape_cast %swap3A_308 : vector<16xf32> to vector<16xf32>
    %swap3A_310 = vector.shape_cast %add3A_307 : vector<16xf32> to vector<16xf32>
    tpu.vector_store %arg13[%swap3A], %swap3A_310 {strides = array<i32>} : memref<512xf32, #tpu.memory_space<vmem>>, vector<16xf32>,
    %get3A_311 = arith.constant 16 : index
    %get3A_312 = tpu.vector_load %arg13[%get3A_311] {strides = array<i32>} : memref<512xf32, #tpu.memory_space<vmem>>, vector<16xf32>,
    %get3A_313 = vector.shape_cast %get3A_312 : vector<16xf32> to vector<16xf32>
    %get3A_314 = arith.constant 16 : index
    %get3A_315 = tpu.vector_load %arg15[%get3A_314] {strides = array<i32>} : memref<512xf32, #tpu.memory_space<vmem>>, vector<16xf32>,
    %get3A_316 = vector.shape_cast %get3A_315 : vector<16xf32> to vector<16xf32>
    %get3A_317 = arith.constant 16 : index
    %get3A_318 = tpu.vector_load %arg14[%get3A_317] {strides = array<i32>} : memref<512xf32, #tpu.memory_space<vmem>>, vector<16xf32>,
    %get3A_319 = vector.shape_cast %get3A_318 : vector<16xf32> to vector<16xf32>
    %mul3A_320 = arith.constant 5.000000e-01 : f32
    %mul3A_321 = vector.broadcast %mul3A_320 : f32 to vector<16xf32>
    %mul3A_322 = arith.mulf %mul3A_321, %get3A_319 : vector<16xf32>
    %exp3A_323 = math.exp %mul3A_322 : vector<16xf32>
    %mul3A_324 = arith.mulf %get3A_316, %exp3A_323 : vector<16xf32>
    %add3A_325 = arith.addf %get3A_313, %mul3A_324 : vector<16xf32>
    %swap3A_326 = arith.constant 16 : index
    %swap3A_327 = tpu.vector_load %arg13[%swap3A_326] {strides = array<i32>} : memref<512xf32, #tpu.memory_space<vmem>>, vector<16xf32>,
    %swap3A_328 = vector.shape_cast %swap3A_327 : vector<16xf32> to vector<16xf32>
    %swap3A_329 = vector.shape_cast %add3A_325 : vector<16xf32> to vector<16xf32>
    tpu.vector_store %arg13[%swap3A_326], %swap3A_329 {strides = array<i32>} : memref<512xf32, #tpu.memory_space<vmem>>, vector<16xf32>,
    %get3A_330 = arith.constant 32 : index
    %get3A_331 = tpu.vector_load %arg13[%get3A_330] {strides = array<i32>} : memref<512xf32, #tpu.memory_space<vmem>>, vector<16xf32>,
    %get3A_332 = vector.shape_cast %get3A_331 : vector<16xf32> to vector<16xf32>
    %get3A_333 = arith.constant 32 : index
    %get3A_334 = tpu.vector_load %arg15[%get3A_333] {strides = array<i32>} : memref<512xf32, #tpu.memory_space<vmem>>, vector<16xf32>,
    %get3A_335 = vector.shape_cast %get3A_334 : vector<16xf32> to vector<16xf32>
    %get3A_336 = arith.constant 32 : index
    %get3A_337 = tpu.vector_load %arg14[%get3A_336] {strides = array<i32>} : memref<512xf32, #tpu.memory_space<vmem>>, vector<16xf32>,
    %get3A_338 = vector.shape_cast %get3A_337 : vector<16xf32> to vector<16xf32>
    %mul3A_339 = arith.constant 5.000000e-01 : f32
    %mul3A_340 = vector.broadcast %mul3A_339 : f32 to vector<16xf32>
    %mul3A_341 = arith.mulf %mul3A_340, %get3A_338 : vector<16xf32>
    %exp3A_342 = math.exp %mul3A_341 : vector<16xf32>
    %mul3A_343 = arith.mulf %get3A_335, %exp3A_342 : vector<16xf32>
    %add3A_344 = arith.addf %get3A_332, %mul3A_343 : vector<16xf32>
    %swap3A_345 = arith.constant 32 : index
    %swap3A_346 = tpu.vector_load %arg13[%swap3A_345] {strides = array<i32>} : memref<512xf32, #tpu.memory_space<vmem>>, vector<16xf32>,
    %swap3A_347 = vector.shape_cast %swap3A_346 : vector<16xf32> to vector<16xf32>
    %swap3A_348 = vector.shape_cast %add3A_344 : vector<16xf32> to vector<16xf32>
    tpu.vector_store %arg13[%swap3A_345], %swap3A_348 {strides = array<i32>} : memref<512xf32, #tpu.memory_space<vmem>>, vector<16xf32>,
    %get3A_349 = arith.constant 48 : index
    %get3A_350 = tpu.vector_load %arg13[%get3A_349] {strides = array<i32>} : memref<512xf32, #tpu.memory_space<vmem>>, vector<16xf32>,
    %get3A_351 = vector.shape_cast %get3A_350 : vector<16xf32> to vector<16xf32>
    %get3A_352 = arith.constant 48 : index
    %get3A_353 = tpu.vector_load %arg15[%get3A_352] {strides = array<i32>} : memref<512xf32, #tpu.memory_space<vmem>>, vector<16xf32>,
    %get3A_354 = vector.shape_cast %get3A_353 : vector<16xf32> to vector<16xf32>
    %get3A_355 = arith.constant 48 : index
    %get3A_356 = tpu.vector_load %arg14[%get3A_355] {strides = array<i32>} : memref<512xf32, #tpu.memory_space<vmem>>, vector<16xf32>,
    %get3A_357 = vector.shape_cast %get3A_356 : vector<16xf32> to vector<16xf32>
    %mul3A_358 = arith.constant 5.000000e-01 : f32
    %mul3A_359 = vector.broadcast %mul3A_358 : f32 to vector<16xf32>
    %mul3A_360 = arith.mulf %mul3A_359, %get3A_357 : vector<16xf32>
    %exp3A_361 = math.exp %mul3A_360 : vector<16xf32>
    %mul3A_362 = arith.mulf %get3A_354, %exp3A_361 : vector<16xf32>
    %add3A_363 = arith.addf %get3A_351, %mul3A_362 : vector<16xf32>
    %swap3A_364 = arith.constant 48 : index
    %swap3A_365 = tpu.vector_load %arg13[%swap3A_364] {strides = array<i32>} : memref<512xf32, #tpu.memory_space<vmem>>, vector<16xf32>,
    %swap3A_366 = vector.shape_cast %swap3A_365 : vector<16xf32> to vector<16xf32>
    %swap3A_367 = vector.shape_cast %add3A_363 : vector<16xf32> to vector<16xf32>
    tpu.vector_store %arg13[%swap3A_364], %swap3A_367 {strides = array<i32>} : memref<512xf32, #tpu.memory_space<vmem>>, vector<16xf32>,
    %get3A_368 = arith.constant 64 : index
    %get3A_369 = tpu.vector_load %arg13[%get3A_368] {strides = array<i32>} : memref<512xf32, #tpu.memory_space<vmem>>, vector<16xf32>,
    %get3A_370 = vector.shape_cast %get3A_369 : vector<16xf32> to vector<16xf32>
    %get3A_371 = arith.constant 64 : index
    %get3A_372 = tpu.vector_load %arg15[%get3A_371] {strides = array<i32>} : memref<512xf32, #tpu.memory_space<vmem>>, vector<16xf32>,
    %get3A_373 = vector.shape_cast %get3A_372 : vector<16xf32> to vector<16xf32>
    %get3A_374 = arith.constant 64 : index
    %get3A_375 = tpu.vector_load %arg14[%get3A_374] {strides = array<i32>} : memref<512xf32, #tpu.memory_space<vmem>>, vector<16xf32>,
    %get3A_376 = vector.shape_cast %get3A_375 : vector<16xf32> to vector<16xf32>
    %mul3A_377 = arith.constant 5.000000e-01 : f32
    %mul3A_378 = vector.broadcast %mul3A_377 : f32 to vector<16xf32>
    %mul3A_379 = arith.mulf %mul3A_378, %get3A_376 : vector<16xf32>
    %exp3A_380 = math.exp %mul3A_379 : vector<16xf32>
    %mul3A_381 = arith.mulf %get3A_373, %exp3A_380 : vector<16xf32>
    %add3A_382 = arith.addf %get3A_370, %mul3A_381 : vector<16xf32>
    %swap3A_383 = arith.constant 64 : index
    %swap3A_384 = tpu.vector_load %arg13[%swap3A_383] {strides = array<i32>} : memref<512xf32, #tpu.memory_space<vmem>>, vector<16xf32>,
    %swap3A_385 = vector.shape_cast %swap3A_384 : vector<16xf32> to vector<16xf32>
    %swap3A_386 = vector.shape_cast %add3A_382 : vector<16xf32> to vector<16xf32>
    tpu.vector_store %arg13[%swap3A_383], %swap3A_386 {strides = array<i32>} : memref<512xf32, #tpu.memory_space<vmem>>, vector<16xf32>,
    %get3A_387 = arith.constant 80 : index
    %get3A_388 = tpu.vector_load %arg13[%get3A_387] {strides = array<i32>} : memref<512xf32, #tpu.memory_space<vmem>>, vector<16xf32>,
    %get3A_389 = vector.shape_cast %get3A_388 : vector<16xf32> to vector<16xf32>
    %get3A_390 = arith.constant 80 : index
    %get3A_391 = tpu.vector_load %arg15[%get3A_390] {strides = array<i32>} : memref<512xf32, #tpu.memory_space<vmem>>, vector<16xf32>,
    %get3A_392 = vector.shape_cast %get3A_391 : vector<16xf32> to vector<16xf32>
    %get3A_393 = arith.constant 80 : index
    %get3A_394 = tpu.vector_load %arg14[%get3A_393] {strides = array<i32>} : memref<512xf32, #tpu.memory_space<vmem>>, vector<16xf32>,
    %get3A_395 = vector.shape_cast %get3A_394 : vector<16xf32> to vector<16xf32>
    %mul3A_396 = arith.constant 5.000000e-01 : f32
    %mul3A_397 = vector.broadcast %mul3A_396 : f32 to vector<16xf32>
    %mul3A_398 = arith.mulf %mul3A_397, %get3A_395 : vector<16xf32>
    %exp3A_399 = math.exp %mul3A_398 : vector<16xf32>
    %mul3A_400 = arith.mulf %get3A_392, %exp3A_399 : vector<16xf32>
    %add3A_401 = arith.addf %get3A_389, %mul3A_400 : vector<16xf32>
    %swap3A_402 = arith.constant 80 : index
    %swap3A_403 = tpu.vector_load %arg13[%swap3A_402] {strides = array<i32>} : memref<512xf32, #tpu.memory_space<vmem>>, vector<16xf32>,
    %swap3A_404 = vector.shape_cast %swap3A_403 : vector<16xf32> to vector<16xf32>
    %swap3A_405 = vector.shape_cast %add3A_401 : vector<16xf32> to vector<16xf32>
    tpu.vector_store %arg13[%swap3A_402], %swap3A_405 {strides = array<i32>} : memref<512xf32, #tpu.memory_space<vmem>>, vector<16xf32>,
    %get3A_406 = arith.constant 96 : index
    %get3A_407 = tpu.vector_load %arg13[%get3A_406] {strides = array<i32>} : memref<512xf32, #tpu.memory_space<vmem>>, vector<16xf32>,
    %get3A_408 = vector.shape_cast %get3A_407 : vector<16xf32> to vector<16xf32>
    %get3A_409 = arith.constant 96 : index
    %get3A_410 = tpu.vector_load %arg15[%get3A_409] {strides = array<i32>} : memref<512xf32, #tpu.memory_space<vmem>>, vector<16xf32>,
    %get3A_411 = vector.shape_cast %get3A_410 : vector<16xf32> to vector<16xf32>
    %get3A_412 = arith.constant 96 : index
    %get3A_413 = tpu.vector_load %arg14[%get3A_412] {strides = array<i32>} : memref<512xf32, #tpu.memory_space<vmem>>, vector<16xf32>,
    %get3A_414 = vector.shape_cast %get3A_413 : vector<16xf32> to vector<16xf32>
    %mul3A_415 = arith.constant 5.000000e-01 : f32
    %mul3A_416 = vector.broadcast %mul3A_415 : f32 to vector<16xf32>
    %mul3A_417 = arith.mulf %mul3A_416, %get3A_414 : vector<16xf32>
    %exp3A_418 = math.exp %mul3A_417 : vector<16xf32>
    %mul3A_419 = arith.mulf %get3A_411, %exp3A_418 : vector<16xf32>
    %add3A_420 = arith.addf %get3A_408, %mul3A_419 : vector<16xf32>
    %swap3A_421 = arith.constant 96 : index
    %swap3A_422 = tpu.vector_load %arg13[%swap3A_421] {strides = array<i32>} : memref<512xf32, #tpu.memory_space<vmem>>, vector<16xf32>,
    %swap3A_423 = vector.shape_cast %swap3A_422 : vector<16xf32> to vector<16xf32>
    %swap3A_424 = vector.shape_cast %add3A_420 : vector<16xf32> to vector<16xf32>
    tpu.vector_store %arg13[%swap3A_421], %swap3A_424 {strides = array<i32>} : memref<512xf32, #tpu.memory_space<vmem>>, vector<16xf32>,
    %get3A_425 = arith.constant 112 : index
    %get3A_426 = tpu.vector_load %arg13[%get3A_425] {strides = array<i32>} : memref<512xf32, #tpu.memory_space<vmem>>, vector<16xf32>,
    %get3A_427 = vector.shape_cast %get3A_426 : vector<16xf32> to vector<16xf32>
    %get3A_428 = arith.constant 112 : index
    %get3A_429 = tpu.vector_load %arg15[%get3A_428] {strides = array<i32>} : memref<512xf32, #tpu.memory_space<vmem>>, vector<16xf32>,
    %get3A_430 = vector.shape_cast %get3A_429 : vector<16xf32> to vector<16xf32>
    %get3A_431 = arith.constant 112 : index
    %get3A_432 = tpu.vector_load %arg14[%get3A_431] {strides = array<i32>} : memref<512xf32, #tpu.memory_space<vmem>>, vector<16xf32>,
    %get3A_433 = vector.shape_cast %get3A_432 : vector<16xf32> to vector<16xf32>
    %mul3A_434 = arith.constant 5.000000e-01 : f32
    %mul3A_435 = vector.broadcast %mul3A_434 : f32 to vector<16xf32>
    %mul3A_436 = arith.mulf %mul3A_435, %get3A_433 : vector<16xf32>
    %exp3A_437 = math.exp %mul3A_436 : vector<16xf32>
    %mul3A_438 = arith.mulf %get3A_430, %exp3A_437 : vector<16xf32>
    %add3A_439 = arith.addf %get3A_427, %mul3A_438 : vector<16xf32>
    %swap3A_440 = arith.constant 112 : index
    %swap3A_441 = tpu.vector_load %arg13[%swap3A_440] {strides = array<i32>} : memref<512xf32, #tpu.memory_space<vmem>>, vector<16xf32>,
    %swap3A_442 = vector.shape_cast %swap3A_441 : vector<16xf32> to vector<16xf32>
    %swap3A_443 = vector.shape_cast %add3A_439 : vector<16xf32> to vector<16xf32>
    tpu.vector_store %arg13[%swap3A_440], %swap3A_443 {strides = array<i32>} : memref<512xf32, #tpu.memory_space<vmem>>, vector<16xf32>,
    %get3A_444 = arith.constant 128 : index
    %get3A_445 = tpu.vector_load %arg13[%get3A_444] {strides = array<i32>} : memref<512xf32, #tpu.memory_space<vmem>>, vector<16xf32>,
    %get3A_446 = vector.shape_cast %get3A_445 : vector<16xf32> to vector<16xf32>
    %get3A_447 = arith.constant 128 : index
    %get3A_448 = tpu.vector_load %arg15[%get3A_447] {strides = array<i32>} : memref<512xf32, #tpu.memory_space<vmem>>, vector<16xf32>,
    %get3A_449 = vector.shape_cast %get3A_448 : vector<16xf32> to vector<16xf32>
    %get3A_450 = arith.constant 128 : index
    %get3A_451 = tpu.vector_load %arg14[%get3A_450] {strides = array<i32>} : memref<512xf32, #tpu.memory_space<vmem>>, vector<16xf32>,
    %get3A_452 = vector.shape_cast %get3A_451 : vector<16xf32> to vector<16xf32>
    %mul3A_453 = arith.constant 5.000000e-01 : f32
    %mul3A_454 = vector.broadcast %mul3A_453 : f32 to vector<16xf32>
    %mul3A_455 = arith.mulf %mul3A_454, %get3A_452 : vector<16xf32>
    %exp3A_456 = math.exp %mul3A_455 : vector<16xf32>
    %mul3A_457 = arith.mulf %get3A_449, %exp3A_456 : vector<16xf32>
    %add3A_458 = arith.addf %get3A_446, %mul3A_457 : vector<16xf32>
    %swap3A_459 = arith.constant 128 : index
    %swap3A_460 = tpu.vector_load %arg13[%swap3A_459] {strides = array<i32>} : memref<512xf32, #tpu.memory_space<vmem>>, vector<16xf32>,
    %swap3A_461 = vector.shape_cast %swap3A_460 : vector<16xf32> to vector<16xf32>
    %swap3A_462 = vector.shape_cast %add3A_458 : vector<16xf32> to vector<16xf32>
    tpu.vector_store %arg13[%swap3A_459], %swap3A_462 {strides = array<i32>} : memref<512xf32, #tpu.memory_space<vmem>>, vector<16xf32>,
    %get3A_463 = arith.constant 144 : index
    %get3A_464 = tpu.vector_load %arg13[%get3A_463] {strides = array<i32>} : memref<512xf32, #tpu.memory_space<vmem>>, vector<16xf32>,
    %get3A_465 = vector.shape_cast %get3A_464 : vector<16xf32> to vector<16xf32>
    %get3A_466 = arith.constant 144 : index
    %get3A_467 = tpu.vector_load %arg15[%get3A_466] {strides = array<i32>} : memref<512xf32, #tpu.memory_space<vmem>>, vector<16xf32>,
    %get3A_468 = vector.shape_cast %get3A_467 : vector<16xf32> to vector<16xf32>
    %get3A_469 = arith.constant 144 : index
    %get3A_470 = tpu.vector_load %arg14[%get3A_469] {strides = array<i32>} : memref<512xf32, #tpu.memory_space<vmem>>, vector<16xf32>,
    %get3A_471 = vector.shape_cast %get3A_470 : vector<16xf32> to vector<16xf32>
    %mul3A_472 = arith.constant 5.000000e-01 : f32
    %mul3A_473 = vector.broadcast %mul3A_472 : f32 to vector<16xf32>
    %mul3A_474 = arith.mulf %mul3A_473, %get3A_471 : vector<16xf32>
    %exp3A_475 = math.exp %mul3A_474 : vector<16xf32>
    %mul3A_476 = arith.mulf %get3A_468, %exp3A_475 : vector<16xf32>
    %add3A_477 = arith.addf %get3A_465, %mul3A_476 : vector<16xf32>
    %swap3A_478 = arith.constant 144 : index
    %swap3A_479 = tpu.vector_load %arg13[%swap3A_478] {strides = array<i32>} : memref<512xf32, #tpu.memory_space<vmem>>, vector<16xf32>,
    %swap3A_480 = vector.shape_cast %swap3A_479 : vector<16xf32> to vector<16xf32>
    %swap3A_481 = vector.shape_cast %add3A_477 : vector<16xf32> to vector<16xf32>
    tpu.vector_store %arg13[%swap3A_478], %swap3A_481 {strides = array<i32>} : memref<512xf32, #tpu.memory_space<vmem>>, vector<16xf32>,
    %get3A_482 = arith.constant 160 : index
    %get3A_483 = tpu.vector_load %arg13[%get3A_482] {strides = array<i32>} : memref<512xf32, #tpu.memory_space<vmem>>, vector<16xf32>,
    %get3A_484 = vector.shape_cast %get3A_483 : vector<16xf32> to vector<16xf32>
    %get3A_485 = arith.constant 160 : index
    %get3A_486 = tpu.vector_load %arg15[%get3A_485] {strides = array<i32>} : memref<512xf32, #tpu.memory_space<vmem>>, vector<16xf32>,
    %get3A_487 = vector.shape_cast %get3A_486 : vector<16xf32> to vector<16xf32>
    %get3A_488 = arith.constant 160 : index
    %get3A_489 = tpu.vector_load %arg14[%get3A_488] {strides = array<i32>} : memref<512xf32, #tpu.memory_space<vmem>>, vector<16xf32>,
    %get3A_490 = vector.shape_cast %get3A_489 : vector<16xf32> to vector<16xf32>
    %mul3A_491 = arith.constant 5.000000e-01 : f32
    %mul3A_492 = vector.broadcast %mul3A_491 : f32 to vector<16xf32>
    %mul3A_493 = arith.mulf %mul3A_492, %get3A_490 : vector<16xf32>
    %exp3A_494 = math.exp %mul3A_493 : vector<16xf32>
    %mul3A_495 = arith.mulf %get3A_487, %exp3A_494 : vector<16xf32>
    %add3A_496 = arith.addf %get3A_484, %mul3A_495 : vector<16xf32>
    %swap3A_497 = arith.constant 160 : index
    %swap3A_498 = tpu.vector_load %arg13[%swap3A_497] {strides = array<i32>} : memref<512xf32, #tpu.memory_space<vmem>>, vector<16xf32>,
    %swap3A_499 = vector.shape_cast %swap3A_498 : vector<16xf32> to vector<16xf32>
    %swap3A_500 = vector.shape_cast %add3A_496 : vector<16xf32> to vector<16xf32>
    tpu.vector_store %arg13[%swap3A_497], %swap3A_500 {strides = array<i32>} : memref<512xf32, #tpu.memory_space<vmem>>, vector<16xf32>,
    %get3A_501 = arith.constant 176 : index
    %get3A_502 = tpu.vector_load %arg13[%get3A_501] {strides = array<i32>} : memref<512xf32, #tpu.memory_space<vmem>>, vector<16xf32>,
    %get3A_503 = vector.shape_cast %get3A_502 : vector<16xf32> to vector<16xf32>
    %get3A_504 = arith.constant 176 : index
    %get3A_505 = tpu.vector_load %arg15[%get3A_504] {strides = array<i32>} : memref<512xf32, #tpu.memory_space<vmem>>, vector<16xf32>,
    %get3A_506 = vector.shape_cast %get3A_505 : vector<16xf32> to vector<16xf32>
    %get3A_507 = arith.constant 176 : index
    %get3A_508 = tpu.vector_load %arg14[%get3A_507] {strides = array<i32>} : memref<512xf32, #tpu.memory_space<vmem>>, vector<16xf32>,
    %get3A_509 = vector.shape_cast %get3A_508 : vector<16xf32> to vector<16xf32>
    %mul3A_510 = arith.constant 5.000000e-01 : f32
    %mul3A_511 = vector.broadcast %mul3A_510 : f32 to vector<16xf32>
    %mul3A_512 = arith.mulf %mul3A_511, %get3A_509 : vector<16xf32>
    %exp3A_513 = math.exp %mul3A_512 : vector<16xf32>
    %mul3A_514 = arith.mulf %get3A_506, %exp3A_513 : vector<16xf32>
    %add3A_515 = arith.addf %get3A_503, %mul3A_514 : vector<16xf32>
    %swap3A_516 = arith.constant 176 : index
    %swap3A_517 = tpu.vector_load %arg13[%swap3A_516] {strides = array<i32>} : memref<512xf32, #tpu.memory_space<vmem>>, vector<16xf32>,
    %swap3A_518 = vector.shape_cast %swap3A_517 : vector<16xf32> to vector<16xf32>
    %swap3A_519 = vector.shape_cast %add3A_515 : vector<16xf32> to vector<16xf32>
    tpu.vector_store %arg13[%swap3A_516], %swap3A_519 {strides = array<i32>} : memref<512xf32, #tpu.memory_space<vmem>>, vector<16xf32>,
    %get3A_520 = arith.constant 192 : index
    %get3A_521 = tpu.vector_load %arg13[%get3A_520] {strides = array<i32>} : memref<512xf32, #tpu.memory_space<vmem>>, vector<16xf32>,
    %get3A_522 = vector.shape_cast %get3A_521 : vector<16xf32> to vector<16xf32>
    %get3A_523 = arith.constant 192 : index
    %get3A_524 = tpu.vector_load %arg15[%get3A_523] {strides = array<i32>} : memref<512xf32, #tpu.memory_space<vmem>>, vector<16xf32>,
    %get3A_525 = vector.shape_cast %get3A_524 : vector<16xf32> to vector<16xf32>
    %get3A_526 = arith.constant 192 : index
    %get3A_527 = tpu.vector_load %arg14[%get3A_526] {strides = array<i32>} : memref<512xf32, #tpu.memory_space<vmem>>, vector<16xf32>,
    %get3A_528 = vector.shape_cast %get3A_527 : vector<16xf32> to vector<16xf32>
    %mul3A_529 = arith.constant 5.000000e-01 : f32
    %mul3A_530 = vector.broadcast %mul3A_529 : f32 to vector<16xf32>
    %mul3A_531 = arith.mulf %mul3A_530, %get3A_528 : vector<16xf32>
    %exp3A_532 = math.exp %mul3A_531 : vector<16xf32>
    %mul3A_533 = arith.mulf %get3A_525, %exp3A_532 : vector<16xf32>
    %add3A_534 = arith.addf %get3A_522, %mul3A_533 : vector<16xf32>
    %swap3A_535 = arith.constant 192 : index
    %swap3A_536 = tpu.vector_load %arg13[%swap3A_535] {strides = array<i32>} : memref<512xf32, #tpu.memory_space<vmem>>, vector<16xf32>,
    %swap3A_537 = vector.shape_cast %swap3A_536 : vector<16xf32> to vector<16xf32>
    %swap3A_538 = vector.shape_cast %add3A_534 : vector<16xf32> to vector<16xf32>
    tpu.vector_store %arg13[%swap3A_535], %swap3A_538 {strides = array<i32>} : memref<512xf32, #tpu.memory_space<vmem>>, vector<16xf32>,
    %get3A_539 = arith.constant 208 : index
    %get3A_540 = tpu.vector_load %arg13[%get3A_539] {strides = array<i32>} : memref<512xf32, #tpu.memory_space<vmem>>, vector<16xf32>,
    %get3A_541 = vector.shape_cast %get3A_540 : vector<16xf32> to vector<16xf32>
    %get3A_542 = arith.constant 208 : index
    %get3A_543 = tpu.vector_load %arg15[%get3A_542] {strides = array<i32>} : memref<512xf32, #tpu.memory_space<vmem>>, vector<16xf32>,
    %get3A_544 = vector.shape_cast %get3A_543 : vector<16xf32> to vector<16xf32>
    %get3A_545 = arith.constant 208 : index
    %get3A_546 = tpu.vector_load %arg14[%get3A_545] {strides = array<i32>} : memref<512xf32, #tpu.memory_space<vmem>>, vector<16xf32>,
    %get3A_547 = vector.shape_cast %get3A_546 : vector<16xf32> to vector<16xf32>
    %mul3A_548 = arith.constant 5.000000e-01 : f32
    %mul3A_549 = vector.broadcast %mul3A_548 : f32 to vector<16xf32>
    %mul3A_550 = arith.mulf %mul3A_549, %get3A_547 : vector<16xf32>
    %exp3A_551 = math.exp %mul3A_550 : vector<16xf32>
    %mul3A_552 = arith.mulf %get3A_544, %exp3A_551 : vector<16xf32>
    %add3A_553 = arith.addf %get3A_541, %mul3A_552 : vector<16xf32>
    %swap3A_554 = arith.constant 208 : index
    %swap3A_555 = tpu.vector_load %arg13[%swap3A_554] {strides = array<i32>} : memref<512xf32, #tpu.memory_space<vmem>>, vector<16xf32>,
    %swap3A_556 = vector.shape_cast %swap3A_555 : vector<16xf32> to vector<16xf32>
    %swap3A_557 = vector.shape_cast %add3A_553 : vector<16xf32> to vector<16xf32>
    tpu.vector_store %arg13[%swap3A_554], %swap3A_557 {strides = array<i32>} : memref<512xf32, #tpu.memory_space<vmem>>, vector<16xf32>,
    %get3A_558 = arith.constant 224 : index
    %get3A_559 = tpu.vector_load %arg13[%get3A_558] {strides = array<i32>} : memref<512xf32, #tpu.memory_space<vmem>>, vector<16xf32>,
    %get3A_560 = vector.shape_cast %get3A_559 : vector<16xf32> to vector<16xf32>
    %get3A_561 = arith.constant 224 : index
    %get3A_562 = tpu.vector_load %arg15[%get3A_561] {strides = array<i32>} : memref<512xf32, #tpu.memory_space<vmem>>, vector<16xf32>,
    %get3A_563 = vector.shape_cast %get3A_562 : vector<16xf32> to vector<16xf32>
    %get3A_564 = arith.constant 224 : index
    %get3A_565 = tpu.vector_load %arg14[%get3A_564] {strides = array<i32>} : memref<512xf32, #tpu.memory_space<vmem>>, vector<16xf32>,
    %get3A_566 = vector.shape_cast %get3A_565 : vector<16xf32> to vector<16xf32>
    %mul3A_567 = arith.constant 5.000000e-01 : f32
    %mul3A_568 = vector.broadcast %mul3A_567 : f32 to vector<16xf32>
    %mul3A_569 = arith.mulf %mul3A_568, %get3A_566 : vector<16xf32>
    %exp3A_570 = math.exp %mul3A_569 : vector<16xf32>
    %mul3A_571 = arith.mulf %get3A_563, %exp3A_570 : vector<16xf32>
    %add3A_572 = arith.addf %get3A_560, %mul3A_571 : vector<16xf32>
    %swap3A_573 = arith.constant 224 : index
    %swap3A_574 = tpu.vector_load %arg13[%swap3A_573] {strides = array<i32>} : memref<512xf32, #tpu.memory_space<vmem>>, vector<16xf32>,
    %swap3A_575 = vector.shape_cast %swap3A_574 : vector<16xf32> to vector<16xf32>
    %swap3A_576 = vector.shape_cast %add3A_572 : vector<16xf32> to vector<16xf32>
    tpu.vector_store %arg13[%swap3A_573], %swap3A_576 {strides = array<i32>} : memref<512xf32, #tpu.memory_space<vmem>>, vector<16xf32>,
    %get3A_577 = arith.constant 240 : index
    %get3A_578 = tpu.vector_load %arg13[%get3A_577] {strides = array<i32>} : memref<512xf32, #tpu.memory_space<vmem>>, vector<16xf32>,
    %get3A_579 = vector.shape_cast %get3A_578 : vector<16xf32> to vector<16xf32>
    %get3A_580 = arith.constant 240 : index
    %get3A_581 = tpu.vector_load %arg15[%get3A_580] {strides = array<i32>} : memref<512xf32, #tpu.memory_space<vmem>>, vector<16xf32>,
    %get3A_582 = vector.shape_cast %get3A_581 : vector<16xf32> to vector<16xf32>
    %get3A_583 = arith.constant 240 : index
    %get3A_584 = tpu.vector_load %arg14[%get3A_583] {strides = array<i32>} : memref<512xf32, #tpu.memory_space<vmem>>, vector<16xf32>,
    %get3A_585 = vector.shape_cast %get3A_584 : vector<16xf32> to vector<16xf32>
    %mul3A_586 = arith.constant 5.000000e-01 : f32
    %mul3A_587 = vector.broadcast %mul3A_586 : f32 to vector<16xf32>
    %mul3A_588 = arith.mulf %mul3A_587, %get3A_585 : vector<16xf32>
    %exp3A_589 = math.exp %mul3A_588 : vector<16xf32>
    %mul3A_590 = arith.mulf %get3A_582, %exp3A_589 : vector<16xf32>
    %add3A_591 = arith.addf %get3A_579, %mul3A_590 : vector<16xf32>
    %swap3A_592 = arith.constant 240 : index
    %swap3A_593 = tpu.vector_load %arg13[%swap3A_592] {strides = array<i32>} : memref<512xf32, #tpu.memory_space<vmem>>, vector<16xf32>,
    %swap3A_594 = vector.shape_cast %swap3A_593 : vector<16xf32> to vector<16xf32>
    %swap3A_595 = vector.shape_cast %add3A_591 : vector<16xf32> to vector<16xf32>
    tpu.vector_store %arg13[%swap3A_592], %swap3A_595 {strides = array<i32>} : memref<512xf32, #tpu.memory_space<vmem>>, vector<16xf32>,
    %get3A_596 = arith.constant 256 : index
    %get3A_597 = tpu.vector_load %arg13[%get3A_596] {strides = array<i32>} : memref<512xf32, #tpu.memory_space<vmem>>, vector<16xf32>,
    %get3A_598 = vector.shape_cast %get3A_597 : vector<16xf32> to vector<16xf32>
    %get3A_599 = arith.constant 256 : index
    %get3A_600 = tpu.vector_load %arg15[%get3A_599] {strides = array<i32>} : memref<512xf32, #tpu.memory_space<vmem>>, vector<16xf32>,
    %get3A_601 = vector.shape_cast %get3A_600 : vector<16xf32> to vector<16xf32>
    %get3A_602 = arith.constant 256 : index
    %get3A_603 = tpu.vector_load %arg14[%get3A_602] {strides = array<i32>} : memref<512xf32, #tpu.memory_space<vmem>>, vector<16xf32>,
    %get3A_604 = vector.shape_cast %get3A_603 : vector<16xf32> to vector<16xf32>
    %mul3A_605 = arith.constant 5.000000e-01 : f32
    %mul3A_606 = vector.broadcast %mul3A_605 : f32 to vector<16xf32>
    %mul3A_607 = arith.mulf %mul3A_606, %get3A_604 : vector<16xf32>
    %exp3A_608 = math.exp %mul3A_607 : vector<16xf32>
    %mul3A_609 = arith.mulf %get3A_601, %exp3A_608 : vector<16xf32>
    %add3A_610 = arith.addf %get3A_598, %mul3A_609 : vector<16xf32>
    %swap3A_611 = arith.constant 256 : index
    %swap3A_612 = tpu.vector_load %arg13[%swap3A_611] {strides = array<i32>} : memref<512xf32, #tpu.memory_space<vmem>>, vector<16xf32>,
    %swap3A_613 = vector.shape_cast %swap3A_612 : vector<16xf32> to vector<16xf32>
    %swap3A_614 = vector.shape_cast %add3A_610 : vector<16xf32> to vector<16xf32>
    tpu.vector_store %arg13[%swap3A_611], %swap3A_614 {strides = array<i32>} : memref<512xf32, #tpu.memory_space<vmem>>, vector<16xf32>,
    %get3A_615 = arith.constant 272 : index
    %get3A_616 = tpu.vector_load %arg13[%get3A_615] {strides = array<i32>} : memref<512xf32, #tpu.memory_space<vmem>>, vector<16xf32>,
    %get3A_617 = vector.shape_cast %get3A_616 : vector<16xf32> to vector<16xf32>
    %get3A_618 = arith.constant 272 : index
    %get3A_619 = tpu.vector_load %arg15[%get3A_618] {strides = array<i32>} : memref<512xf32, #tpu.memory_space<vmem>>, vector<16xf32>,
    %get3A_620 = vector.shape_cast %get3A_619 : vector<16xf32> to vector<16xf32>
    %get3A_621 = arith.constant 272 : index
    %get3A_622 = tpu.vector_load %arg14[%get3A_621] {strides = array<i32>} : memref<512xf32, #tpu.memory_space<vmem>>, vector<16xf32>,
    %get3A_623 = vector.shape_cast %get3A_622 : vector<16xf32> to vector<16xf32>
    %mul3A_624 = arith.constant 5.000000e-01 : f32
    %mul3A_625 = vector.broadcast %mul3A_624 : f32 to vector<16xf32>
    %mul3A_626 = arith.mulf %mul3A_625, %get3A_623 : vector<16xf32>
    %exp3A_627 = math.exp %mul3A_626 : vector<16xf32>
    %mul3A_628 = arith.mulf %get3A_620, %exp3A_627 : vector<16xf32>
    %add3A_629 = arith.addf %get3A_617, %mul3A_628 : vector<16xf32>
    %swap3A_630 = arith.constant 272 : index
    %swap3A_631 = tpu.vector_load %arg13[%swap3A_630] {strides = array<i32>} : memref<512xf32, #tpu.memory_space<vmem>>, vector<16xf32>,
    %swap3A_632 = vector.shape_cast %swap3A_631 : vector<16xf32> to vector<16xf32>
    %swap3A_633 = vector.shape_cast %add3A_629 : vector<16xf32> to vector<16xf32>
    tpu.vector_store %arg13[%swap3A_630], %swap3A_633 {strides = array<i32>} : memref<512xf32, #tpu.memory_space<vmem>>, vector<16xf32>,
    %get3A_634 = arith.constant 288 : index
    %get3A_635 = tpu.vector_load %arg13[%get3A_634] {strides = array<i32>} : memref<512xf32, #tpu.memory_space<vmem>>, vector<16xf32>,
    %get3A_636 = vector.shape_cast %get3A_635 : vector<16xf32> to vector<16xf32>
    %get3A_637 = arith.constant 288 : index
    %get3A_638 = tpu.vector_load %arg15[%get3A_637] {strides = array<i32>} : memref<512xf32, #tpu.memory_space<vmem>>, vector<16xf32>,
    %get3A_639 = vector.shape_cast %get3A_638 : vector<16xf32> to vector<16xf32>
    %get3A_640 = arith.constant 288 : index
    %get3A_641 = tpu.vector_load %arg14[%get3A_640] {strides = array<i32>} : memref<512xf32, #tpu.memory_space<vmem>>, vector<16xf32>,
    %get3A_642 = vector.shape_cast %get3A_641 : vector<16xf32> to vector<16xf32>
    %mul3A_643 = arith.constant 5.000000e-01 : f32
    %mul3A_644 = vector.broadcast %mul3A_643 : f32 to vector<16xf32>
    %mul3A_645 = arith.mulf %mul3A_644, %get3A_642 : vector<16xf32>
    %exp3A_646 = math.exp %mul3A_645 : vector<16xf32>
    %mul3A_647 = arith.mulf %get3A_639, %exp3A_646 : vector<16xf32>
    %add3A_648 = arith.addf %get3A_636, %mul3A_647 : vector<16xf32>
    %swap3A_649 = arith.constant 288 : index
    %swap3A_650 = tpu.vector_load %arg13[%swap3A_649] {strides = array<i32>} : memref<512xf32, #tpu.memory_space<vmem>>, vector<16xf32>,
    %swap3A_651 = vector.shape_cast %swap3A_650 : vector<16xf32> to vector<16xf32>
    %swap3A_652 = vector.shape_cast %add3A_648 : vector<16xf32> to vector<16xf32>
    tpu.vector_store %arg13[%swap3A_649], %swap3A_652 {strides = array<i32>} : memref<512xf32, #tpu.memory_space<vmem>>, vector<16xf32>,
    %get3A_653 = arith.constant 304 : index
    %get3A_654 = tpu.vector_load %arg13[%get3A_653] {strides = array<i32>} : memref<512xf32, #tpu.memory_space<vmem>>, vector<16xf32>,
    %get3A_655 = vector.shape_cast %get3A_654 : vector<16xf32> to vector<16xf32>
    %get3A_656 = arith.constant 304 : index
    %get3A_657 = tpu.vector_load %arg15[%get3A_656] {strides = array<i32>} : memref<512xf32, #tpu.memory_space<vmem>>, vector<16xf32>,
    %get3A_658 = vector.shape_cast %get3A_657 : vector<16xf32> to vector<16xf32>
    %get3A_659 = arith.constant 304 : index
    %get3A_660 = tpu.vector_load %arg14[%get3A_659] {strides = array<i32>} : memref<512xf32, #tpu.memory_space<vmem>>, vector<16xf32>,
    %get3A_661 = vector.shape_cast %get3A_660 : vector<16xf32> to vector<16xf32>
    %mul3A_662 = arith.constant 5.000000e-01 : f32
    %mul3A_663 = vector.broadcast %mul3A_662 : f32 to vector<16xf32>
    %mul3A_664 = arith.mulf %mul3A_663, %get3A_661 : vector<16xf32>
    %exp3A_665 = math.exp %mul3A_664 : vector<16xf32>
    %mul3A_666 = arith.mulf %get3A_658, %exp3A_665 : vector<16xf32>
    %add3A_667 = arith.addf %get3A_655, %mul3A_666 : vector<16xf32>
    %swap3A_668 = arith.constant 304 : index
    %swap3A_669 = tpu.vector_load %arg13[%swap3A_668] {strides = array<i32>} : memref<512xf32, #tpu.memory_space<vmem>>, vector<16xf32>,
    %swap3A_670 = vector.shape_cast %swap3A_669 : vector<16xf32> to vector<16xf32>
    %swap3A_671 = vector.shape_cast %add3A_667 : vector<16xf32> to vector<16xf32>
    tpu.vector_store %arg13[%swap3A_668], %swap3A_671 {strides = array<i32>} : memref<512xf32, #tpu.memory_space<vmem>>, vector<16xf32>,
    %get3A_672 = arith.constant 320 : index
    %get3A_673 = tpu.vector_load %arg13[%get3A_672] {strides = array<i32>} : memref<512xf32, #tpu.memory_space<vmem>>, vector<16xf32>,
    %get3A_674 = vector.shape_cast %get3A_673 : vector<16xf32> to vector<16xf32>
    %get3A_675 = arith.constant 320 : index
    %get3A_676 = tpu.vector_load %arg15[%get3A_675] {strides = array<i32>} : memref<512xf32, #tpu.memory_space<vmem>>, vector<16xf32>,
    %get3A_677 = vector.shape_cast %get3A_676 : vector<16xf32> to vector<16xf32>
    %get3A_678 = arith.constant 320 : index
    %get3A_679 = tpu.vector_load %arg14[%get3A_678] {strides = array<i32>} : memref<512xf32, #tpu.memory_space<vmem>>, vector<16xf32>,
    %get3A_680 = vector.shape_cast %get3A_679 : vector<16xf32> to vector<16xf32>
    %mul3A_681 = arith.constant 5.000000e-01 : f32
    %mul3A_682 = vector.broadcast %mul3A_681 : f32 to vector<16xf32>
    %mul3A_683 = arith.mulf %mul3A_682, %get3A_680 : vector<16xf32>
    %exp3A_684 = math.exp %mul3A_683 : vector<16xf32>
    %mul3A_685 = arith.mulf %get3A_677, %exp3A_684 : vector<16xf32>
    %add3A_686 = arith.addf %get3A_674, %mul3A_685 : vector<16xf32>
    %swap3A_687 = arith.constant 320 : index
    %swap3A_688 = tpu.vector_load %arg13[%swap3A_687] {strides = array<i32>} : memref<512xf32, #tpu.memory_space<vmem>>, vector<16xf32>,
    %swap3A_689 = vector.shape_cast %swap3A_688 : vector<16xf32> to vector<16xf32>
    %swap3A_690 = vector.shape_cast %add3A_686 : vector<16xf32> to vector<16xf32>
    tpu.vector_store %arg13[%swap3A_687], %swap3A_690 {strides = array<i32>} : memref<512xf32, #tpu.memory_space<vmem>>, vector<16xf32>,
    %get3A_691 = arith.constant 336 : index
    %get3A_692 = tpu.vector_load %arg13[%get3A_691] {strides = array<i32>} : memref<512xf32, #tpu.memory_space<vmem>>, vector<16xf32>,
    %get3A_693 = vector.shape_cast %get3A_692 : vector<16xf32> to vector<16xf32>
    %get3A_694 = arith.constant 336 : index
    %get3A_695 = tpu.vector_load %arg15[%get3A_694] {strides = array<i32>} : memref<512xf32, #tpu.memory_space<vmem>>, vector<16xf32>,
    %get3A_696 = vector.shape_cast %get3A_695 : vector<16xf32> to vector<16xf32>
    %get3A_697 = arith.constant 336 : index
    %get3A_698 = tpu.vector_load %arg14[%get3A_697] {strides = array<i32>} : memref<512xf32, #tpu.memory_space<vmem>>, vector<16xf32>,
    %get3A_699 = vector.shape_cast %get3A_698 : vector<16xf32> to vector<16xf32>
    %mul3A_700 = arith.constant 5.000000e-01 : f32
    %mul3A_701 = vector.broadcast %mul3A_700 : f32 to vector<16xf32>
    %mul3A_702 = arith.mulf %mul3A_701, %get3A_699 : vector<16xf32>
    %exp3A_703 = math.exp %mul3A_702 : vector<16xf32>
    %mul3A_704 = arith.mulf %get3A_696, %exp3A_703 : vector<16xf32>
    %add3A_705 = arith.addf %get3A_693, %mul3A_704 : vector<16xf32>
    %swap3A_706 = arith.constant 336 : index
    %swap3A_707 = tpu.vector_load %arg13[%swap3A_706] {strides = array<i32>} : memref<512xf32, #tpu.memory_space<vmem>>, vector<16xf32>,
    %swap3A_708 = vector.shape_cast %swap3A_707 : vector<16xf32> to vector<16xf32>
    %swap3A_709 = vector.shape_cast %add3A_705 : vector<16xf32> to vector<16xf32>
    tpu.vector_store %arg13[%swap3A_706], %swap3A_709 {strides = array<i32>} : memref<512xf32, #tpu.memory_space<vmem>>, vector<16xf32>,
    %get3A_710 = arith.constant 352 : index
    %get3A_711 = tpu.vector_load %arg13[%get3A_710] {strides = array<i32>} : memref<512xf32, #tpu.memory_space<vmem>>, vector<16xf32>,
    %get3A_712 = vector.shape_cast %get3A_711 : vector<16xf32> to vector<16xf32>
    %get3A_713 = arith.constant 352 : index
    %get3A_714 = tpu.vector_load %arg15[%get3A_713] {strides = array<i32>} : memref<512xf32, #tpu.memory_space<vmem>>, vector<16xf32>,
    %get3A_715 = vector.shape_cast %get3A_714 : vector<16xf32> to vector<16xf32>
    %get3A_716 = arith.constant 352 : index
    %get3A_717 = tpu.vector_load %arg14[%get3A_716] {strides = array<i32>} : memref<512xf32, #tpu.memory_space<vmem>>, vector<16xf32>,
    %get3A_718 = vector.shape_cast %get3A_717 : vector<16xf32> to vector<16xf32>
    %mul3A_719 = arith.constant 5.000000e-01 : f32
    %mul3A_720 = vector.broadcast %mul3A_719 : f32 to vector<16xf32>
    %mul3A_721 = arith.mulf %mul3A_720, %get3A_718 : vector<16xf32>
    %exp3A_722 = math.exp %mul3A_721 : vector<16xf32>
    %mul3A_723 = arith.mulf %get3A_715, %exp3A_722 : vector<16xf32>
    %add3A_724 = arith.addf %get3A_712, %mul3A_723 : vector<16xf32>
    %swap3A_725 = arith.constant 352 : index
    %swap3A_726 = tpu.vector_load %arg13[%swap3A_725] {strides = array<i32>} : memref<512xf32, #tpu.memory_space<vmem>>, vector<16xf32>,
    %swap3A_727 = vector.shape_cast %swap3A_726 : vector<16xf32> to vector<16xf32>
    %swap3A_728 = vector.shape_cast %add3A_724 : vector<16xf32> to vector<16xf32>
    tpu.vector_store %arg13[%swap3A_725], %swap3A_728 {strides = array<i32>} : memref<512xf32, #tpu.memory_space<vmem>>, vector<16xf32>,
    %get3A_729 = arith.constant 368 : index
    %get3A_730 = tpu.vector_load %arg13[%get3A_729] {strides = array<i32>} : memref<512xf32, #tpu.memory_space<vmem>>, vector<16xf32>,
    %get3A_731 = vector.shape_cast %get3A_730 : vector<16xf32> to vector<16xf32>
    %get3A_732 = arith.constant 368 : index
    %get3A_733 = tpu.vector_load %arg15[%get3A_732] {strides = array<i32>} : memref<512xf32, #tpu.memory_space<vmem>>, vector<16xf32>,
    %get3A_734 = vector.shape_cast %get3A_733 : vector<16xf32> to vector<16xf32>
    %get3A_735 = arith.constant 368 : index
    %get3A_736 = tpu.vector_load %arg14[%get3A_735] {strides = array<i32>} : memref<512xf32, #tpu.memory_space<vmem>>, vector<16xf32>,
    %get3A_737 = vector.shape_cast %get3A_736 : vector<16xf32> to vector<16xf32>
    %mul3A_738 = arith.constant 5.000000e-01 : f32
    %mul3A_739 = vector.broadcast %mul3A_738 : f32 to vector<16xf32>
    %mul3A_740 = arith.mulf %mul3A_739, %get3A_737 : vector<16xf32>
    %exp3A_741 = math.exp %mul3A_740 : vector<16xf32>
    %mul3A_742 = arith.mulf %get3A_734, %exp3A_741 : vector<16xf32>
    %add3A_743 = arith.addf %get3A_731, %mul3A_742 : vector<16xf32>
    %swap3A_744 = arith.constant 368 : index
    %swap3A_745 = tpu.vector_load %arg13[%swap3A_744] {strides = array<i32>} : memref<512xf32, #tpu.memory_space<vmem>>, vector<16xf32>,
    %swap3A_746 = vector.shape_cast %swap3A_745 : vector<16xf32> to vector<16xf32>
    %swap3A_747 = vector.shape_cast %add3A_743 : vector<16xf32> to vector<16xf32>
    tpu.vector_store %arg13[%swap3A_744], %swap3A_747 {strides = array<i32>} : memref<512xf32, #tpu.memory_space<vmem>>, vector<16xf32>,
    %get3A_748 = arith.constant 384 : index
    %get3A_749 = tpu.vector_load %arg13[%get3A_748] {strides = array<i32>} : memref<512xf32, #tpu.memory_space<vmem>>, vector<16xf32>,
    %get3A_750 = vector.shape_cast %get3A_749 : vector<16xf32> to vector<16xf32>
    %get3A_751 = arith.constant 384 : index
    %get3A_752 = tpu.vector_load %arg15[%get3A_751] {strides = array<i32>} : memref<512xf32, #tpu.memory_space<vmem>>, vector<16xf32>,
    %get3A_753 = vector.shape_cast %get3A_752 : vector<16xf32> to vector<16xf32>
    %get3A_754 = arith.constant 384 : index
    %get3A_755 = tpu.vector_load %arg14[%get3A_754] {strides = array<i32>} : memref<512xf32, #tpu.memory_space<vmem>>, vector<16xf32>,
    %get3A_756 = vector.shape_cast %get3A_755 : vector<16xf32> to vector<16xf32>
    %mul3A_757 = arith.constant 5.000000e-01 : f32
    %mul3A_758 = vector.broadcast %mul3A_757 : f32 to vector<16xf32>
    %mul3A_759 = arith.mulf %mul3A_758, %get3A_756 : vector<16xf32>
    %exp3A_760 = math.exp %mul3A_759 : vector<16xf32>
    %mul3A_761 = arith.mulf %get3A_753, %exp3A_760 : vector<16xf32>
    %add3A_762 = arith.addf %get3A_750, %mul3A_761 : vector<16xf32>
    %swap3A_763 = arith.constant 384 : index
    %swap3A_764 = tpu.vector_load %arg13[%swap3A_763] {strides = array<i32>} : memref<512xf32, #tpu.memory_space<vmem>>, vector<16xf32>,
    %swap3A_765 = vector.shape_cast %swap3A_764 : vector<16xf32> to vector<16xf32>
    %swap3A_766 = vector.shape_cast %add3A_762 : vector<16xf32> to vector<16xf32>
    tpu.vector_store %arg13[%swap3A_763], %swap3A_766 {strides = array<i32>} : memref<512xf32, #tpu.memory_space<vmem>>, vector<16xf32>,
    %get3A_767 = arith.constant 400 : index
    %get3A_768 = tpu.vector_load %arg13[%get3A_767] {strides = array<i32>} : memref<512xf32, #tpu.memory_space<vmem>>, vector<16xf32>,
    %get3A_769 = vector.shape_cast %get3A_768 : vector<16xf32> to vector<16xf32>
    %get3A_770 = arith.constant 400 : index
    %get3A_771 = tpu.vector_load %arg15[%get3A_770] {strides = array<i32>} : memref<512xf32, #tpu.memory_space<vmem>>, vector<16xf32>,
    %get3A_772 = vector.shape_cast %get3A_771 : vector<16xf32> to vector<16xf32>
    %get3A_773 = arith.constant 400 : index
    %get3A_774 = tpu.vector_load %arg14[%get3A_773] {strides = array<i32>} : memref<512xf32, #tpu.memory_space<vmem>>, vector<16xf32>,
    %get3A_775 = vector.shape_cast %get3A_774 : vector<16xf32> to vector<16xf32>
    %mul3A_776 = arith.constant 5.000000e-01 : f32
    %mul3A_777 = vector.broadcast %mul3A_776 : f32 to vector<16xf32>
    %mul3A_778 = arith.mulf %mul3A_777, %get3A_775 : vector<16xf32>
    %exp3A_779 = math.exp %mul3A_778 : vector<16xf32>
    %mul3A_780 = arith.mulf %get3A_772, %exp3A_779 : vector<16xf32>
    %add3A_781 = arith.addf %get3A_769, %mul3A_780 : vector<16xf32>
    %swap3A_782 = arith.constant 400 : index
    %swap3A_783 = tpu.vector_load %arg13[%swap3A_782] {strides = array<i32>} : memref<512xf32, #tpu.memory_space<vmem>>, vector<16xf32>,
    %swap3A_784 = vector.shape_cast %swap3A_783 : vector<16xf32> to vector<16xf32>
    %swap3A_785 = vector.shape_cast %add3A_781 : vector<16xf32> to vector<16xf32>
    tpu.vector_store %arg13[%swap3A_782], %swap3A_785 {strides = array<i32>} : memref<512xf32, #tpu.memory_space<vmem>>, vector<16xf32>,
    %get3A_786 = arith.constant 416 : index
    %get3A_787 = tpu.vector_load %arg13[%get3A_786] {strides = array<i32>} : memref<512xf32, #tpu.memory_space<vmem>>, vector<16xf32>,
    %get3A_788 = vector.shape_cast %get3A_787 : vector<16xf32> to vector<16xf32>
    %get3A_789 = arith.constant 416 : index
    %get3A_790 = tpu.vector_load %arg15[%get3A_789] {strides = array<i32>} : memref<512xf32, #tpu.memory_space<vmem>>, vector<16xf32>,
    %get3A_791 = vector.shape_cast %get3A_790 : vector<16xf32> to vector<16xf32>
    %get3A_792 = arith.constant 416 : index
    %get3A_793 = tpu.vector_load %arg14[%get3A_792] {strides = array<i32>} : memref<512xf32, #tpu.memory_space<vmem>>, vector<16xf32>,
    %get3A_794 = vector.shape_cast %get3A_793 : vector<16xf32> to vector<16xf32>
    %mul3A_795 = arith.constant 5.000000e-01 : f32
    %mul3A_796 = vector.broadcast %mul3A_795 : f32 to vector<16xf32>
    %mul3A_797 = arith.mulf %mul3A_796, %get3A_794 : vector<16xf32>
    %exp3A_798 = math.exp %mul3A_797 : vector<16xf32>
    %mul3A_799 = arith.mulf %get3A_791, %exp3A_798 : vector<16xf32>
    %add3A_800 = arith.addf %get3A_788, %mul3A_799 : vector<16xf32>
    %swap3A_801 = arith.constant 416 : index
    %swap3A_802 = tpu.vector_load %arg13[%swap3A_801] {strides = array<i32>} : memref<512xf32, #tpu.memory_space<vmem>>, vector<16xf32>,
    %swap3A_803 = vector.shape_cast %swap3A_802 : vector<16xf32> to vector<16xf32>
    %swap3A_804 = vector.shape_cast %add3A_800 : vector<16xf32> to vector<16xf32>
    tpu.vector_store %arg13[%swap3A_801], %swap3A_804 {strides = array<i32>} : memref<512xf32, #tpu.memory_space<vmem>>, vector<16xf32>,
    %get3A_805 = arith.constant 432 : index
    %get3A_806 = tpu.vector_load %arg13[%get3A_805] {strides = array<i32>} : memref<512xf32, #tpu.memory_space<vmem>>, vector<16xf32>,
    %get3A_807 = vector.shape_cast %get3A_806 : vector<16xf32> to vector<16xf32>
    %get3A_808 = arith.constant 432 : index
    %get3A_809 = tpu.vector_load %arg15[%get3A_808] {strides = array<i32>} : memref<512xf32, #tpu.memory_space<vmem>>, vector<16xf32>,
    %get3A_810 = vector.shape_cast %get3A_809 : vector<16xf32> to vector<16xf32>
    %get3A_811 = arith.constant 432 : index
    %get3A_812 = tpu.vector_load %arg14[%get3A_811] {strides = array<i32>} : memref<512xf32, #tpu.memory_space<vmem>>, vector<16xf32>,
    %get3A_813 = vector.shape_cast %get3A_812 : vector<16xf32> to vector<16xf32>
    %mul3A_814 = arith.constant 5.000000e-01 : f32
    %mul3A_815 = vector.broadcast %mul3A_814 : f32 to vector<16xf32>
    %mul3A_816 = arith.mulf %mul3A_815, %get3A_813 : vector<16xf32>
    %exp3A_817 = math.exp %mul3A_816 : vector<16xf32>
    %mul3A_818 = arith.mulf %get3A_810, %exp3A_817 : vector<16xf32>
    %add3A_819 = arith.addf %get3A_807, %mul3A_818 : vector<16xf32>
    %swap3A_820 = arith.constant 432 : index
    %swap3A_821 = tpu.vector_load %arg13[%swap3A_820] {strides = array<i32>} : memref<512xf32, #tpu.memory_space<vmem>>, vector<16xf32>,
    %swap3A_822 = vector.shape_cast %swap3A_821 : vector<16xf32> to vector<16xf32>
    %swap3A_823 = vector.shape_cast %add3A_819 : vector<16xf32> to vector<16xf32>
    tpu.vector_store %arg13[%swap3A_820], %swap3A_823 {strides = array<i32>} : memref<512xf32, #tpu.memory_space<vmem>>, vector<16xf32>,
    %get3A_824 = arith.constant 448 : index
    %get3A_825 = tpu.vector_load %arg13[%get3A_824] {strides = array<i32>} : memref<512xf32, #tpu.memory_space<vmem>>, vector<16xf32>,
    %get3A_826 = vector.shape_cast %get3A_825 : vector<16xf32> to vector<16xf32>
    %get3A_827 = arith.constant 448 : index
    %get3A_828 = tpu.vector_load %arg15[%get3A_827] {strides = array<i32>} : memref<512xf32, #tpu.memory_space<vmem>>, vector<16xf32>,
    %get3A_829 = vector.shape_cast %get3A_828 : vector<16xf32> to vector<16xf32>
    %get3A_830 = arith.constant 448 : index
    %get3A_831 = tpu.vector_load %arg14[%get3A_830] {strides = array<i32>} : memref<512xf32, #tpu.memory_space<vmem>>, vector<16xf32>,
    %get3A_832 = vector.shape_cast %get3A_831 : vector<16xf32> to vector<16xf32>
    %mul3A_833 = arith.constant 5.000000e-01 : f32
    %mul3A_834 = vector.broadcast %mul3A_833 : f32 to vector<16xf32>
    %mul3A_835 = arith.mulf %mul3A_834, %get3A_832 : vector<16xf32>
    %exp3A_836 = math.exp %mul3A_835 : vector<16xf32>
    %mul3A_837 = arith.mulf %get3A_829, %exp3A_836 : vector<16xf32>
    %add3A_838 = arith.addf %get3A_826, %mul3A_837 : vector<16xf32>
    %swap3A_839 = arith.constant 448 : index
    %swap3A_840 = tpu.vector_load %arg13[%swap3A_839] {strides = array<i32>} : memref<512xf32, #tpu.memory_space<vmem>>, vector<16xf32>,
    %swap3A_841 = vector.shape_cast %swap3A_840 : vector<16xf32> to vector<16xf32>
    %swap3A_842 = vector.shape_cast %add3A_838 : vector<16xf32> to vector<16xf32>
    tpu.vector_store %arg13[%swap3A_839], %swap3A_842 {strides = array<i32>} : memref<512xf32, #tpu.memory_space<vmem>>, vector<16xf32>,
    %get3A_843 = arith.constant 464 : index
    %get3A_844 = tpu.vector_load %arg13[%get3A_843] {strides = array<i32>} : memref<512xf32, #tpu.memory_space<vmem>>, vector<16xf32>,
    %get3A_845 = vector.shape_cast %get3A_844 : vector<16xf32> to vector<16xf32>
    %get3A_846 = arith.constant 464 : index
    %get3A_847 = tpu.vector_load %arg15[%get3A_846] {strides = array<i32>} : memref<512xf32, #tpu.memory_space<vmem>>, vector<16xf32>,
    %get3A_848 = vector.shape_cast %get3A_847 : vector<16xf32> to vector<16xf32>
    %get3A_849 = arith.constant 464 : index
    %get3A_850 = tpu.vector_load %arg14[%get3A_849] {strides = array<i32>} : memref<512xf32, #tpu.memory_space<vmem>>, vector<16xf32>,
    %get3A_851 = vector.shape_cast %get3A_850 : vector<16xf32> to vector<16xf32>
    %mul3A_852 = arith.constant 5.000000e-01 : f32
    %mul3A_853 = vector.broadcast %mul3A_852 : f32 to vector<16xf32>
    %mul3A_854 = arith.mulf %mul3A_853, %get3A_851 : vector<16xf32>
    %exp3A_855 = math.exp %mul3A_854 : vector<16xf32>
    %mul3A_856 = arith.mulf %get3A_848, %exp3A_855 : vector<16xf32>
    %add3A_857 = arith.addf %get3A_845, %mul3A_856 : vector<16xf32>
    %swap3A_858 = arith.constant 464 : index
    %swap3A_859 = tpu.vector_load %arg13[%swap3A_858] {strides = array<i32>} : memref<512xf32, #tpu.memory_space<vmem>>, vector<16xf32>,
    %swap3A_860 = vector.shape_cast %swap3A_859 : vector<16xf32> to vector<16xf32>
    %swap3A_861 = vector.shape_cast %add3A_857 : vector<16xf32> to vector<16xf32>
    tpu.vector_store %arg13[%swap3A_858], %swap3A_861 {strides = array<i32>} : memref<512xf32, #tpu.memory_space<vmem>>, vector<16xf32>,
    %get3A_862 = arith.constant 480 : index
    %get3A_863 = tpu.vector_load %arg13[%get3A_862] {strides = array<i32>} : memref<512xf32, #tpu.memory_space<vmem>>, vector<16xf32>,
    %get3A_864 = vector.shape_cast %get3A_863 : vector<16xf32> to vector<16xf32>
    %get3A_865 = arith.constant 480 : index
    %get3A_866 = tpu.vector_load %arg15[%get3A_865] {strides = array<i32>} : memref<512xf32, #tpu.memory_space<vmem>>, vector<16xf32>,
    %get3A_867 = vector.shape_cast %get3A_866 : vector<16xf32> to vector<16xf32>
    %get3A_868 = arith.constant 480 : index
    %get3A_869 = tpu.vector_load %arg14[%get3A_868] {strides = array<i32>} : memref<512xf32, #tpu.memory_space<vmem>>, vector<16xf32>,
    %get3A_870 = vector.shape_cast %get3A_869 : vector<16xf32> to vector<16xf32>
    %mul3A_871 = arith.constant 5.000000e-01 : f32
    %mul3A_872 = vector.broadcast %mul3A_871 : f32 to vector<16xf32>
    %mul3A_873 = arith.mulf %mul3A_872, %get3A_870 : vector<16xf32>
    %exp3A_874 = math.exp %mul3A_873 : vector<16xf32>
    %mul3A_875 = arith.mulf %get3A_867, %exp3A_874 : vector<16xf32>
    %add3A_876 = arith.addf %get3A_864, %mul3A_875 : vector<16xf32>
    %swap3A_877 = arith.constant 480 : index
    %swap3A_878 = tpu.vector_load %arg13[%swap3A_877] {strides = array<i32>} : memref<512xf32, #tpu.memory_space<vmem>>, vector<16xf32>,
    %swap3A_879 = vector.shape_cast %swap3A_878 : vector<16xf32> to vector<16xf32>
    %swap3A_880 = vector.shape_cast %add3A_876 : vector<16xf32> to vector<16xf32>
    tpu.vector_store %arg13[%swap3A_877], %swap3A_880 {strides = array<i32>} : memref<512xf32, #tpu.memory_space<vmem>>, vector<16xf32>,
    %get3A_881 = arith.constant 496 : index
    %get3A_882 = tpu.vector_load %arg13[%get3A_881] {strides = array<i32>} : memref<512xf32, #tpu.memory_space<vmem>>, vector<16xf32>,
    %get3A_883 = vector.shape_cast %get3A_882 : vector<16xf32> to vector<16xf32>
    %get3A_884 = arith.constant 496 : index
    %get3A_885 = tpu.vector_load %arg15[%get3A_884] {strides = array<i32>} : memref<512xf32, #tpu.memory_space<vmem>>, vector<16xf32>,
    %get3A_886 = vector.shape_cast %get3A_885 : vector<16xf32> to vector<16xf32>
    %get3A_887 = arith.constant 496 : index
    %get3A_888 = tpu.vector_load %arg14[%get3A_887] {strides = array<i32>} : memref<512xf32, #tpu.memory_space<vmem>>, vector<16xf32>,
    %get3A_889 = vector.shape_cast %get3A_888 : vector<16xf32> to vector<16xf32>
    %mul3A_890 = arith.constant 5.000000e-01 : f32
    %mul3A_891 = vector.broadcast %mul3A_890 : f32 to vector<16xf32>
    %mul3A_892 = arith.mulf %mul3A_891, %get3A_889 : vector<16xf32>
    %exp3A_893 = math.exp %mul3A_892 : vector<16xf32>
    %mul3A_894 = arith.mulf %get3A_886, %exp3A_893 : vector<16xf32>
    %add3A_895 = arith.addf %get3A_883, %mul3A_894 : vector<16xf32>
    %swap3A_896 = arith.constant 496 : index
    %swap3A_897 = tpu.vector_load %arg13[%swap3A_896] {strides = array<i32>} : memref<512xf32, #tpu.memory_space<vmem>>, vector<16xf32>,
    %swap3A_898 = vector.shape_cast %swap3A_897 : vector<16xf32> to vector<16xf32>
    %swap3A_899 = vector.shape_cast %add3A_895 : vector<16xf32> to vector<16xf32>
    tpu.vector_store %arg13[%swap3A_896], %swap3A_899 {strides = array<i32>} : memref<512xf32, #tpu.memory_space<vmem>>, vector<16xf32>,
    "tpu.region"() ({
      %run_scoped3A = tpu.sem_alloc : memref<!tpu.dma_semaphore, #tpu.memory_space<semaphore_mem>>
      %dma_start3A_900 = arith.constant 0 : i32
      %dma_start3A_901 = tpu.memref_slice %arg8[%mul3A_2, %dma_start3A_900] : memref<16384x128xf32, #tpu.memory_space<hbm>> -> memref<512x64xf32, #tpu.memory_space<hbm>>
      %dma_start3A_902 = arith.constant 0 : i32
      %dma_start3A_903 = tpu.memref_slice %arg8[%mul3A_2, %dma_start3A_902] : memref<16384x128xf32, #tpu.memory_space<hbm>> -> memref<512x64xf32, #tpu.memory_space<hbm>>
      tpu.enqueue_dma source(%arg11 : memref<512x64xf32, #tpu.memory_space<vmem>>) target(%dma_start3A_903 : memref<512x64xf32, #tpu.memory_space<hbm>>) target_semaphore(%run_scoped3A : memref<!tpu.dma_semaphore, #tpu.memory_space<semaphore_mem>>)
      %dma_wait3A_904 = arith.constant 0 : i32
      %dma_wait3A_905 = tpu.memref_slice %arg8[%mul3A_2, %dma_wait3A_904] : memref<16384x128xf32, #tpu.memory_space<hbm>> -> memref<512x64xf32, #tpu.memory_space<hbm>>
      %dma_wait3A_906 = arith.constant 0 : i32
      %dma_wait3A_907 = tpu.memref_slice %arg8[%mul3A_2, %dma_wait3A_906] : memref<16384x128xf32, #tpu.memory_space<hbm>> -> memref<512x64xf32, #tpu.memory_space<hbm>>
      tpu.wait_dma2 semaphore(%run_scoped3A : memref<!tpu.dma_semaphore, #tpu.memory_space<semaphore_mem>>) src(%arg11 : memref<512x64xf32, #tpu.memory_space<vmem>>) dst(%dma_wait3A_907 : memref<512x64xf32, #tpu.memory_space<hbm>>)
      tpu.yield
    }) : () -> ()
    "tpu.region"() ({
      %run_scoped3A = tpu.sem_alloc : memref<!tpu.dma_semaphore, #tpu.memory_space<semaphore_mem>>
      %dma_start3A_900 = arith.constant 64 : i32
      %dma_start3A_901 = tpu.memref_slice %arg8[%mul3A_2, %dma_start3A_900] : memref<16384x128xf32, #tpu.memory_space<hbm>> -> memref<512x64xf32, #tpu.memory_space<hbm>>
      %dma_start3A_902 = arith.constant 64 : i32
      %dma_start3A_903 = tpu.memref_slice %arg8[%mul3A_2, %dma_start3A_902] : memref<16384x128xf32, #tpu.memory_space<hbm>> -> memref<512x64xf32, #tpu.memory_space<hbm>>
      tpu.enqueue_dma source(%arg12 : memref<512x64xf32, #tpu.memory_space<vmem>>) target(%dma_start3A_903 : memref<512x64xf32, #tpu.memory_space<hbm>>) target_semaphore(%run_scoped3A : memref<!tpu.dma_semaphore, #tpu.memory_space<semaphore_mem>>)
      %dma_wait3A_904 = arith.constant 64 : i32
      %dma_wait3A_905 = tpu.memref_slice %arg8[%mul3A_2, %dma_wait3A_904] : memref<16384x128xf32, #tpu.memory_space<hbm>> -> memref<512x64xf32, #tpu.memory_space<hbm>>
      %dma_wait3A_906 = arith.constant 64 : i32
      %dma_wait3A_907 = tpu.memref_slice %arg8[%mul3A_2, %dma_wait3A_906] : memref<16384x128xf32, #tpu.memory_space<hbm>> -> memref<512x64xf32, #tpu.memory_space<hbm>>
      tpu.wait_dma2 semaphore(%run_scoped3A : memref<!tpu.dma_semaphore, #tpu.memory_space<semaphore_mem>>) src(%arg12 : memref<512x64xf32, #tpu.memory_space<vmem>>) dst(%dma_wait3A_907 : memref<512x64xf32, #tpu.memory_space<hbm>>)
      tpu.yield
    }) : () -> ()
    "tpu.region"() ({
      %run_scoped3A = tpu.sem_alloc : memref<!tpu.dma_semaphore, #tpu.memory_space<semaphore_mem>>
      %dma_start3A_900 = tpu.memref_slice %arg9[%mul3A_2] : memref<16384xf32, #tpu.memory_space<hbm>> -> memref<512xf32, #tpu.memory_space<hbm>>
      %dma_start3A_901 = tpu.memref_slice %arg9[%mul3A_2] : memref<16384xf32, #tpu.memory_space<hbm>> -> memref<512xf32, #tpu.memory_space<hbm>>
      tpu.enqueue_dma source(%arg13 : memref<512xf32, #tpu.memory_space<vmem>>) target(%dma_start3A_901 : memref<512xf32, #tpu.memory_space<hbm>>) target_semaphore(%run_scoped3A : memref<!tpu.dma_semaphore, #tpu.memory_space<semaphore_mem>>)
      %dma_wait3A_902 = tpu.memref_slice %arg9[%mul3A_2] : memref<16384xf32, #tpu.memory_space<hbm>> -> memref<512xf32, #tpu.memory_space<hbm>>
      %dma_wait3A_903 = tpu.memref_slice %arg9[%mul3A_2] : memref<16384xf32, #tpu.memory_space<hbm>> -> memref<512xf32, #tpu.memory_space<hbm>>
      tpu.wait_dma2 semaphore(%run_scoped3A : memref<!tpu.dma_semaphore, #tpu.memory_space<semaphore_mem>>) src(%arg13 : memref<512xf32, #tpu.memory_space<vmem>>) dst(%dma_wait3A_903 : memref<512xf32, #tpu.memory_space<hbm>>)
      tpu.yield
    }) : () -> ()
    return
  }
}

module attributes {stable_mosaic.version = 14 : i64} {
  func.func @_tc_body(%arg0: i32, %arg1: memref<2048x128xf32, #tpu.memory_space<vmem>>, %arg2: memref<16x128xf32, #tpu.memory_space<vmem>>, %arg3: memref<2048x64xf32, #tpu.memory_space<vmem>>, %arg4: memref<64x1001xf32, #tpu.memory_space<vmem>>, %arg5: memref<64x1001xf32, #tpu.memory_space<vmem>>, %arg6: memref<64x1001xf32, #tpu.memory_space<vmem>>, %arg7: memref<1x1001xf32, #tpu.memory_space<vmem>>, %arg8: memref<1x1001xf32, #tpu.memory_space<vmem>>, %arg9: memref<1x1001xf32, #tpu.memory_space<vmem>>, %arg10: memref<2048x1001xf32, #tpu.memory_space<vmem>>, %arg11: memref<64x1001xf32, #tpu.memory_space<vmem>>, %arg12: memref<1x1001xf32, #tpu.memory_space<vmem>>, %arg13: memref<1x1001xf32, #tpu.memory_space<vmem>>, %arg14: memref<2048x16xf32, #tpu.memory_space<vmem>>, %arg15: memref<2048x128xf32, #tpu.memory_space<vmem>>) attributes {dimension_semantics = [#tpu.dimension_semantics<arbitrary>], iteration_bounds = array<i64: 8>, scalar_prefetch = 0 : i64, scratch_operands = 5 : i64, tpu.core_type = #tpu.core_type<tc>, window_params = [{transform_indices = @transform_0, window_bounds = array<i64: 2048, 128>}, {transform_indices = @transform_1, window_bounds = array<i64: 16, 128>}, {transform_indices = @transform_2, window_bounds = array<i64: 2048, 64>}, {pipeline_mode = #tpu.pipeline_mode<synchronous>, transform_indices = @transform_3, window_bounds = array<i64: 64, 1001>}, {pipeline_mode = #tpu.pipeline_mode<synchronous>, transform_indices = @transform_4, window_bounds = array<i64: 64, 1001>}, {pipeline_mode = #tpu.pipeline_mode<synchronous>, transform_indices = @transform_5, window_bounds = array<i64: 64, 1001>}, {pipeline_mode = #tpu.pipeline_mode<synchronous>, transform_indices = @transform_6, window_bounds = array<i64: 1, 1001>}, {pipeline_mode = #tpu.pipeline_mode<synchronous>, transform_indices = @transform_7, window_bounds = array<i64: 1, 1001>}, {pipeline_mode = #tpu.pipeline_mode<synchronous>, transform_indices = @transform_8, window_bounds = array<i64: 1, 1001>}, {transform_indices = @transform_9, window_bounds = array<i64: 2048, 1001>}]} {
    %eq3A = arith.constant 0 : i32
    %eq3A_0 = arith.cmpi eq, %arg0, %eq3A : i32
    %convert_element_type3A = arith.extui %eq3A_0 : i1 to i32
    %cond3A = arith.constant 0 : i32
    %cond3A_1 = arith.cmpi ne, %convert_element_type3A, %cond3A : i32
    scf.if %cond3A_1 {
      %get3A_44 = arith.constant 0 : index
      %get3A_45 = arith.constant 0 : index
      %get3A_46 = vector.load %arg4[%get3A_44, %get3A_45] : memref<64x1001xf32, #tpu.memory_space<vmem>>, vector<64x1001xf32>
      %get3A_47 = arith.constant 0 : index
      %get3A_48 = arith.constant 0 : index
      %get3A_49 = vector.load %arg6[%get3A_47, %get3A_48] : memref<64x1001xf32, #tpu.memory_space<vmem>>, vector<64x1001xf32>
      %get3A_50 = arith.constant 0 : index
      %get3A_51 = arith.constant 0 : index
      %get3A_52 = vector.load %arg5[%get3A_50, %get3A_51] : memref<64x1001xf32, #tpu.memory_space<vmem>>, vector<64x1001xf32>
      %mul3A_53 = arith.constant 5.000000e-01 : f32
      %mul3A_54 = vector.broadcast %mul3A_53 : f32 to vector<64x1001xf32>
      %mul3A_55 = arith.mulf %mul3A_54, %get3A_52 : vector<64x1001xf32>
      %exp3A_56 = math.exp %mul3A_55 : vector<64x1001xf32>
      %mul3A_57 = arith.mulf %get3A_49, %exp3A_56 : vector<64x1001xf32>
      %add3A_58 = arith.addf %get3A_46, %mul3A_57 : vector<64x1001xf32>
      %broadcast_in_dim3A_59 = arith.constant 9.99000971E-4 : f32
      %broadcast_in_dim3A_60 = vector.broadcast %broadcast_in_dim3A_59 : f32 to vector<1001x1xf32>
      %dot_general3A_61 = arith.constant dense<0.000000e+00> : vector<64x1xf32>
      %dot_general3A_62 = tpu.matmul %add3A_58, %broadcast_in_dim3A_60, %dot_general3A_61 {dimension_numbers = #tpu.dot_dimension_numbers<[1], [0], [0], [1], [0, 0, 1, 1], [], []>, transpose_lhs_hint = false} : vector<64x1001xf32>, vector<1001x1xf32>, vector<64x1xf32> -> vector<64x1xf32>
      %sub3A = vector.broadcast %dot_general3A_62 : vector<64x1xf32> to vector<64x1001xf32>
      %sub3A_63 = arith.subf %add3A_58, %sub3A : vector<64x1001xf32>
      %swap3A_64 = arith.constant 0 : index
      %swap3A_65 = arith.constant 0 : index
      %swap3A_66 = vector.load %arg11[%swap3A_64, %swap3A_65] : memref<64x1001xf32, #tpu.memory_space<vmem>>, vector<64x1001xf32>
      tpu.vector_store %arg11[%swap3A_64, %swap3A_65], %sub3A_63 {strides = array<i32>} : memref<64x1001xf32, #tpu.memory_space<vmem>>, vector<64x1001xf32>,
      %get3A_67 = arith.constant 0 : index
      %get3A_68 = arith.constant 0 : index
      %get3A_69 = vector.load %arg7[%get3A_67, %get3A_68] : memref<1x1001xf32, #tpu.memory_space<vmem>>, vector<1x1001xf32>
      %get3A_70 = arith.constant 0 : index
      %get3A_71 = arith.constant 0 : index
      %get3A_72 = vector.load %arg9[%get3A_70, %get3A_71] : memref<1x1001xf32, #tpu.memory_space<vmem>>, vector<1x1001xf32>
      %get3A_73 = arith.constant 0 : index
      %get3A_74 = arith.constant 0 : index
      %get3A_75 = vector.load %arg8[%get3A_73, %get3A_74] : memref<1x1001xf32, #tpu.memory_space<vmem>>, vector<1x1001xf32>
      %mul3A_76 = arith.constant 5.000000e-01 : f32
      %mul3A_77 = vector.broadcast %mul3A_76 : f32 to vector<1x1001xf32>
      %mul3A_78 = arith.mulf %mul3A_77, %get3A_75 : vector<1x1001xf32>
      %exp3A_79 = math.exp %mul3A_78 : vector<1x1001xf32>
      %mul3A_80 = arith.mulf %get3A_72, %exp3A_79 : vector<1x1001xf32>
      %add3A_81 = arith.addf %get3A_69, %mul3A_80 : vector<1x1001xf32>
      %reduce_sum3A = arith.constant dense<0.000000e+00> : vector<1xf32>
      %reduce_sum3A_82 = vector.multi_reduction <add>, %add3A_81, %reduce_sum3A [1] : vector<1x1001xf32> to vector<1xf32>
      %broadcast_in_dim3A_83 = vector.shape_cast %reduce_sum3A_82 : vector<1xf32> to vector<1x1xf32>
      %mul3A_84 = arith.constant 9.99000971E-4 : f32
      %mul3A_85 = vector.broadcast %mul3A_84 : f32 to vector<1x1xf32>
      %mul3A_86 = arith.mulf %broadcast_in_dim3A_83, %mul3A_85 : vector<1x1xf32>
      %sub3A_87 = vector.broadcast %mul3A_86 : vector<1x1xf32> to vector<1x1001xf32>
      %sub3A_88 = arith.subf %add3A_81, %sub3A_87 : vector<1x1001xf32>
      %swap3A_89 = arith.constant 0 : index
      %swap3A_90 = arith.constant 0 : index
      %swap3A_91 = vector.load %arg12[%swap3A_89, %swap3A_90] : memref<1x1001xf32, #tpu.memory_space<vmem>>, vector<1x1001xf32>
      tpu.vector_store %arg12[%swap3A_89, %swap3A_90], %sub3A_88 {strides = array<i32>} : memref<1x1001xf32, #tpu.memory_space<vmem>>, vector<1x1001xf32>,
      %iota3A = tpu.iota {dimensions = array<i32: 1>} : vector<1x1001xi32>
      %gt3A = arith.constant 0 : i32
      %gt3A_92 = vector.broadcast %gt3A : i32 to vector<1x1001xi32>
      %gt3A_93 = arith.cmpi sgt, %iota3A, %gt3A_92 : vector<1x1001xi32>
      %jit3A = arith.constant 1.000000e+00 : f32
      %jit3A_94 = arith.constant 0.000000e+00 : f32
      %broadcast_in_dim3A_95 = vector.broadcast %jit3A : f32 to vector<1x1001xf32>
      %broadcast_in_dim3A_96 = vector.broadcast %jit3A_94 : f32 to vector<1x1001xf32>
      %select_n3A = arith.select %gt3A_93, %broadcast_in_dim3A_95, %broadcast_in_dim3A_96 : vector<1x1001xi1>, vector<1x1001xf32>
      %sub3A_97 = arith.constant 9.990010e-01 : f32
      %sub3A_98 = vector.broadcast %sub3A_97 : f32 to vector<1x1001xf32>
      %sub3A_99 = arith.subf %select_n3A, %sub3A_98 : vector<1x1001xf32>
      %swap3A_100 = arith.constant 0 : index
      %swap3A_101 = arith.constant 0 : index
      %swap3A_102 = vector.load %arg13[%swap3A_100, %swap3A_101] : memref<1x1001xf32, #tpu.memory_space<vmem>>, vector<1x1001xf32>
      tpu.vector_store %arg13[%swap3A_100, %swap3A_101], %sub3A_99 {strides = array<i32>} : memref<1x1001xf32, #tpu.memory_space<vmem>>, vector<1x1001xf32>,
      %iota3A_103 = tpu.iota {dimensions = array<i32: 0>} : vector<2048x16xi32>
      %iota3A_104 = tpu.iota {dimensions = array<i32: 1>} : vector<2048x16xi32>
      %jit3A_105 = arith.constant 128 : i32
      %div3A = vector.broadcast %jit3A_105 : i32 to vector<2048x16xi32>
      %div3A_106 = arith.divsi %iota3A_103, %div3A : vector<2048x16xi32>
      %sign3A = arith.constant 0 : i32
      %sign3A_107 = vector.broadcast %sign3A : i32 to vector<2048x16xi32>
      %sign3A_108 = arith.cmpi sgt, %iota3A_103, %sign3A_107 : vector<2048x16xi32>
      %sign3A_109 = arith.extui %sign3A_108 : vector<2048x16xi1> to vector<2048x16xi32>
      %sign3A_110 = arith.constant 0 : i32
      %sign3A_111 = vector.broadcast %sign3A_110 : i32 to vector<2048x16xi32>
      %sign3A_112 = arith.cmpi slt, %iota3A_103, %sign3A_111 : vector<2048x16xi32>
      %sign3A_113 = arith.extui %sign3A_112 : vector<2048x16xi1> to vector<2048x16xi32>
      %sign3A_114 = arith.subi %sign3A_109, %sign3A_113 : vector<2048x16xi32>
      %sign3A_115 = arith.constant 0 : i32
      %sign3A_116 = arith.cmpi sgt, %jit3A_105, %sign3A_115 : i32
      %sign3A_117 = arith.extui %sign3A_116 : i1 to i32
      %sign3A_118 = arith.constant 0 : i32
      %sign3A_119 = arith.cmpi slt, %jit3A_105, %sign3A_118 : i32
      %sign3A_120 = arith.extui %sign3A_119 : i1 to i32
      %sign3A_121 = arith.subi %sign3A_117, %sign3A_120 : i32
      %ne3A = vector.broadcast %sign3A_121 : i32 to vector<2048x16xi32>
      %ne3A_122 = arith.cmpi ne, %sign3A_114, %ne3A : vector<2048x16xi32>
      %rem3A = vector.broadcast %jit3A_105 : i32 to vector<2048x16xi32>
      %rem3A_123 = arith.remsi %iota3A_103, %rem3A : vector<2048x16xi32>
      %ne3A_124 = arith.constant 0 : i32
      %ne3A_125 = vector.broadcast %ne3A_124 : i32 to vector<2048x16xi32>
      %ne3A_126 = arith.cmpi ne, %rem3A_123, %ne3A_125 : vector<2048x16xi32>
      %and3A = arith.andi %ne3A_122, %ne3A_126 : vector<2048x16xi1>
      %sub3A_127 = arith.constant 1 : i32
      %sub3A_128 = vector.broadcast %sub3A_127 : i32 to vector<2048x16xi32>
      %sub3A_129 = arith.subi %div3A_106, %sub3A_128 : vector<2048x16xi32>
      %select_n3A_130 = arith.select %and3A, %sub3A_129, %div3A_106 : vector<2048x16xi1>, vector<2048x16xi32>
      %eq3A_131 = arith.cmpi eq, %select_n3A_130, %iota3A_104 : vector<2048x16xi32>
      %jit3A_132 = arith.constant 1.000000e+00 : f32
      %jit3A_133 = arith.constant 0.000000e+00 : f32
      %broadcast_in_dim3A_134 = vector.broadcast %jit3A_132 : f32 to vector<2048x16xf32>
      %broadcast_in_dim3A_135 = vector.broadcast %jit3A_133 : f32 to vector<2048x16xf32>
      %select_n3A_136 = arith.select %eq3A_131, %broadcast_in_dim3A_134, %broadcast_in_dim3A_135 : vector<2048x16xi1>, vector<2048x16xf32>
      %swap3A_137 = arith.constant 0 : index
      %swap3A_138 = arith.constant 0 : index
      %swap3A_139 = vector.load %arg14[%swap3A_137, %swap3A_138] : memref<2048x16xf32, #tpu.memory_space<vmem>>, vector<2048x16xf32>
      tpu.vector_store %arg14[%swap3A_137, %swap3A_138], %select_n3A_136 {strides = array<i32>} : memref<2048x16xf32, #tpu.memory_space<vmem>>, vector<2048x16xf32>,
      %iota3A_140 = tpu.iota {dimensions = array<i32: 0>} : vector<2048x128xi32>
      %iota3A_141 = tpu.iota {dimensions = array<i32: 1>} : vector<2048x128xi32>
      %jit3A_142 = arith.constant 128 : i32
      %eq3A_143 = arith.constant 0 : i32
      %eq3A_144 = arith.cmpi eq, %jit3A_142, %eq3A_143 : i32
      %jit3A_145 = arith.constant 1 : i32
      %select_n3A_146 = arith.select %eq3A_144, %jit3A_145, %jit3A_142 : i32
      %rem3A_147 = vector.broadcast %select_n3A_146 : i32 to vector<2048x128xi32>
      %rem3A_148 = arith.remsi %iota3A_140, %rem3A_147 : vector<2048x128xi32>
      %ne3A_149 = arith.constant 0 : i32
      %ne3A_150 = vector.broadcast %ne3A_149 : i32 to vector<2048x128xi32>
      %ne3A_151 = arith.cmpi ne, %rem3A_148, %ne3A_150 : vector<2048x128xi32>
      %lt3A = arith.constant 0 : i32
      %lt3A_152 = vector.broadcast %lt3A : i32 to vector<2048x128xi32>
      %lt3A_153 = arith.cmpi slt, %rem3A_148, %lt3A_152 : vector<2048x128xi32>
      %lt3A_154 = arith.constant 0 : i32
      %lt3A_155 = arith.cmpi slt, %select_n3A_146, %lt3A_154 : i32
      %ne3A_156 = vector.broadcast %lt3A_155 : i1 to vector<2048x128xi1>
      %ne3A_157 = vector.broadcast %ne3A_156 : vector<2048x128xi1> to vector<2048x128xi1>
      %ne3A_158 = arith.xori %lt3A_153, %ne3A_157 : vector<2048x128xi1>
      %and3A_159 = arith.andi %ne3A_158, %ne3A_151 : vector<2048x128xi1>
      %add3A_160 = vector.broadcast %select_n3A_146 : i32 to vector<2048x128xi32>
      %add3A_161 = arith.addi %rem3A_148, %add3A_160 : vector<2048x128xi32>
      %select_n3A_162 = arith.select %and3A_159, %add3A_161, %rem3A_148 : vector<2048x128xi1>, vector<2048x128xi32>
      %eq3A_163 = arith.cmpi eq, %select_n3A_162, %iota3A_141 : vector<2048x128xi32>
      %jit3A_164 = arith.constant 1.000000e+00 : f32
      %jit3A_165 = arith.constant 0.000000e+00 : f32
      %broadcast_in_dim3A_166 = vector.broadcast %jit3A_164 : f32 to vector<2048x128xf32>
      %broadcast_in_dim3A_167 = vector.broadcast %jit3A_165 : f32 to vector<2048x128xf32>
      %select_n3A_168 = arith.select %eq3A_163, %broadcast_in_dim3A_166, %broadcast_in_dim3A_167 : vector<2048x128xi1>, vector<2048x128xf32>
      %swap3A_169 = arith.constant 0 : index
      %swap3A_170 = arith.constant 0 : index
      %swap3A_171 = vector.load %arg15[%swap3A_169, %swap3A_170] : memref<2048x128xf32, #tpu.memory_space<vmem>>, vector<2048x128xf32>
      tpu.vector_store %arg15[%swap3A_169, %swap3A_170], %select_n3A_168 {strides = array<i32>} : memref<2048x128xf32, #tpu.memory_space<vmem>>, vector<2048x128xf32>,
    } else {
    }
    %get3A = arith.constant 0 : index
    %get3A_2 = arith.constant 0 : index
    %get3A_3 = vector.load %arg1[%get3A, %get3A_2] : memref<2048x128xf32, #tpu.memory_space<vmem>>, vector<2048x128xf32>
    %slice3A = vector.extract_strided_slice %get3A_3 {offsets = [0, 0], sizes = [2048, 64], strides = [1, 1]} : vector<2048x128xf32> to vector<2048x64xf32>
    %get3A_4 = arith.constant 0 : index
    %get3A_5 = arith.constant 0 : index
    %get3A_6 = vector.load %arg3[%get3A_4, %get3A_5] : memref<2048x64xf32, #tpu.memory_space<vmem>>, vector<2048x64xf32>
    %slice3A_7 = vector.extract_strided_slice %get3A_3 {offsets = [0, 64], sizes = [2048, 64], strides = [1, 1]} : vector<2048x128xf32> to vector<2048x64xf32>
    %mul3A = arith.constant 5.000000e-01 : f32
    %mul3A_8 = vector.broadcast %mul3A : f32 to vector<2048x64xf32>
    %mul3A_9 = arith.mulf %mul3A_8, %slice3A_7 : vector<2048x64xf32>
    %exp3A = math.exp %mul3A_9 : vector<2048x64xf32>
    %mul3A_10 = arith.mulf %get3A_6, %exp3A : vector<2048x64xf32>
    %add3A = arith.addf %slice3A, %mul3A_10 : vector<2048x64xf32>
    %get3A_11 = arith.constant 0 : index
    %get3A_12 = arith.constant 0 : index
    %get3A_13 = vector.load %arg11[%get3A_11, %get3A_12] : memref<64x1001xf32, #tpu.memory_space<vmem>>, vector<64x1001xf32>
    %dot_general3A = arith.constant dense<0.000000e+00> : vector<2048x1001xf32>
    %dot_general3A_14 = tpu.matmul %add3A, %get3A_13, %dot_general3A {dimension_numbers = #tpu.dot_dimension_numbers<[1], [0], [0], [1], [0, 0, 1, 1], [], []>, transpose_lhs_hint = false} : vector<2048x64xf32>, vector<64x1001xf32>, vector<2048x1001xf32> -> vector<2048x1001xf32>
    %get3A_15 = arith.constant 0 : index
    %get3A_16 = arith.constant 0 : index
    %get3A_17 = vector.load %arg14[%get3A_15, %get3A_16] : memref<2048x16xf32, #tpu.memory_space<vmem>>, vector<2048x16xf32>
    %get3A_18 = arith.constant 0 : index
    %get3A_19 = arith.constant 0 : index
    %get3A_20 = vector.load %arg2[%get3A_18, %get3A_19] : memref<16x128xf32, #tpu.memory_space<vmem>>, vector<16x128xf32>
    %dot_general3A_21 = arith.constant dense<0.000000e+00> : vector<2048x128xf32>
    %dot_general3A_22 = tpu.matmul %get3A_17, %get3A_20, %dot_general3A_21 {dimension_numbers = #tpu.dot_dimension_numbers<[1], [0], [0], [1], [0, 0, 1, 1], [], []>, transpose_lhs_hint = false} : vector<2048x16xf32>, vector<16x128xf32>, vector<2048x128xf32> -> vector<2048x128xf32>
    %get3A_23 = arith.constant 0 : index
    %get3A_24 = arith.constant 0 : index
    %get3A_25 = vector.load %arg15[%get3A_23, %get3A_24] : memref<2048x128xf32, #tpu.memory_space<vmem>>, vector<2048x128xf32>
    %mul3A_26 = arith.mulf %dot_general3A_22, %get3A_25 : vector<2048x128xf32>
    %broadcast_in_dim3A = arith.constant 1.000000e+00 : f32
    %broadcast_in_dim3A_27 = vector.broadcast %broadcast_in_dim3A : f32 to vector<128x1xf32>
    %dot_general3A_28 = arith.constant dense<0.000000e+00> : vector<2048x1xf32>
    %dot_general3A_29 = tpu.matmul %mul3A_26, %broadcast_in_dim3A_27, %dot_general3A_28 {dimension_numbers = #tpu.dot_dimension_numbers<[1], [0], [0], [1], [0, 0, 1, 1], [], []>, transpose_lhs_hint = false} : vector<2048x128xf32>, vector<128x1xf32>, vector<2048x1xf32> -> vector<2048x1xf32>
    %get3A_30 = arith.constant 0 : index
    %get3A_31 = arith.constant 0 : index
    %get3A_32 = vector.load %arg12[%get3A_30, %get3A_31] : memref<1x1001xf32, #tpu.memory_space<vmem>>, vector<1x1001xf32>
    %add3A_33 = vector.broadcast %get3A_32 : vector<1x1001xf32> to vector<2048x1001xf32>
    %add3A_34 = arith.addf %dot_general3A_14, %add3A_33 : vector<2048x1001xf32>
    %get3A_35 = arith.constant 0 : index
    %get3A_36 = arith.constant 0 : index
    %get3A_37 = vector.load %arg13[%get3A_35, %get3A_36] : memref<1x1001xf32, #tpu.memory_space<vmem>>, vector<1x1001xf32>
    %mul3A_38 = vector.broadcast %dot_general3A_29 : vector<2048x1xf32> to vector<2048x1001xf32>
    %mul3A_39 = vector.broadcast %get3A_37 : vector<1x1001xf32> to vector<2048x1001xf32>
    %mul3A_40 = arith.mulf %mul3A_38, %mul3A_39 : vector<2048x1001xf32>
    %add3A_41 = arith.addf %add3A_34, %mul3A_40 : vector<2048x1001xf32>
    %swap3A = arith.constant 0 : index
    %swap3A_42 = arith.constant 0 : index
    %swap3A_43 = vector.load %arg10[%swap3A, %swap3A_42] : memref<2048x1001xf32, #tpu.memory_space<vmem>>, vector<2048x1001xf32>
    tpu.vector_store %arg10[%swap3A, %swap3A_42], %add3A_41 {strides = array<i32>} : memref<2048x1001xf32, #tpu.memory_space<vmem>>, vector<2048x1001xf32>,
    return
  }
  func.func @transform_0(%arg0: i32) -> (i32, i32) {
    %c0_i32 = arith.constant 0 : i32
    %c0_i32_0 = arith.constant 0 : i32
    return %arg0, %c0_i32 : i32, i32
  }
  func.func @transform_1(%arg0: i32) -> (i32, i32) {
    %c0_i32 = arith.constant 0 : i32
    %c0_i32_0 = arith.constant 0 : i32
    return %arg0, %c0_i32 : i32, i32
  }
  func.func @transform_2(%arg0: i32) -> (i32, i32) {
    %c0_i32 = arith.constant 0 : i32
    %c0_i32_0 = arith.constant 0 : i32
    return %arg0, %c0_i32 : i32, i32
  }
  func.func @transform_3(%arg0: i32) -> (i32, i32) {
    %c0_i32 = arith.constant 0 : i32
    %c0_i32_0 = arith.constant 0 : i32
    %c0_i32_1 = arith.constant 0 : i32
    return %c0_i32, %c0_i32_0 : i32, i32
  }
  func.func @transform_4(%arg0: i32) -> (i32, i32) {
    %c0_i32 = arith.constant 0 : i32
    %c0_i32_0 = arith.constant 0 : i32
    %c0_i32_1 = arith.constant 0 : i32
    return %c0_i32, %c0_i32_0 : i32, i32
  }
  func.func @transform_5(%arg0: i32) -> (i32, i32) {
    %c0_i32 = arith.constant 0 : i32
    %c0_i32_0 = arith.constant 0 : i32
    %c0_i32_1 = arith.constant 0 : i32
    return %c0_i32, %c0_i32_0 : i32, i32
  }
  func.func @transform_6(%arg0: i32) -> (i32, i32) {
    %c0_i32 = arith.constant 0 : i32
    %c0_i32_0 = arith.constant 0 : i32
    %c0_i32_1 = arith.constant 0 : i32
    return %c0_i32, %c0_i32_0 : i32, i32
  }
  func.func @transform_7(%arg0: i32) -> (i32, i32) {
    %c0_i32 = arith.constant 0 : i32
    %c0_i32_0 = arith.constant 0 : i32
    %c0_i32_1 = arith.constant 0 : i32
    return %c0_i32, %c0_i32_0 : i32, i32
  }
  func.func @transform_8(%arg0: i32) -> (i32, i32) {
    %c0_i32 = arith.constant 0 : i32
    %c0_i32_0 = arith.constant 0 : i32
    %c0_i32_1 = arith.constant 0 : i32
    return %c0_i32, %c0_i32_0 : i32, i32
  }
  func.func @transform_9(%arg0: i32) -> (i32, i32) {
    %c0_i32 = arith.constant 0 : i32
    %c0_i32_0 = arith.constant 0 : i32
    return %arg0, %c0_i32 : i32, i32
  }
}

</mosaic_0001>

<sc_bundles>
// kernel: kernel.4.cloned.1.call-start
scs
__scs_entry_jumppad:
0x0: {  	(pc) =	sbr.rel $0x88, $3  }
0x1: {  	(tag) =	ssettag $0x0;
	lr =	simm.s32 $0x1  }
0x2: {  	[smem:$0x3F94] =	sst lr;
	_ =	strace $0xD0000000  }
0x3: {  	_ = 	snop  }
0x4: {  	_ = 	snop  }
0x5: {  	_ = 	snop  }
0x6: {  	_ = 	snop  }
0x7: {  	_ = 	snop  }
__scs_overlays_trampoline_lowered:
0x8: {  	[smem:$0x3FA3] =	sst s0  }
0x9: {  	[smem:$0x3FA4] =	sst s1  }
0xa: {  	[smem:$0x3FA5] =	sst s2  }
0xb: {  	[smem:$0x3FA6] =	sst s3  }
0xc: {  	[smem:$0x3FA7] =	sst s4  }
0xd: {  	[smem:$0x3FA8] =	sst s5  }
0xe: {  	[smem:$0x3FA9] =	sst s6  }
0xf: {  	[smem:$0x3FAA] =	sst s7  }
0x10: {  	[smem:$0x3FAB] =	sst s8  }
0x11: {  	[smem:$0x3FAC] =	sst s9;
	s0 =	simm.s32 @!p0 $0x0  }
0x12: {  	s1 =	sld [smem:$0x3F92];
	s0 =	simm.s32 @p0 $0x1  }
0x13: {  	[smem:$0x3FAD] =	sst s0;
	s0 =	simm.s32 @!p1 $0x0  }
0x14: {  	s2 =	sld [smem:$0x3F91];
	s0 =	simm.s32 @p1 $0x1  }
0x15: {  	[smem:$0x3FAE] =	sst s0;
	s0 =	simm.s32 @!p2 $0x0  }
0x16: {  	s3 =	sld [smem:$0x3FDB];
	s0 =	simm.s32 @p2 $0x1  }
0x17: {  	s4 =	simm.s32 $0x1BF5;
	[smem:$0x3FB0] =	sst s0  }
0x18: {  	s0 =	sld [smem:$0x3F93];
	_ =	swait.ge [sflag:s4], $0x0  }
0x19: {  	s7 =	sld [smem:$0x3F94]  }
0x1a: {  	s8 =	sadd.s32 $0xFFFFE003, lr  }
0x1b: {  	s9 =	sadd.s32 $0xFFFFFEF7, lr;
	s5 =	simm.s32 $0xFFFFFFFF;
	p2 =	slt.u32 s8, $0xFFFFF086  }
0x1c: {  	p1 =	slt.u32 s9, $0xF7A;
	s5 =	simm.s32 @!p2 $0x0  }
0x1d: {  	s5 =	simm.s32 @p1 $0x1;
	p0 =	seq.s32 s7, s2  }
0x1e: {  	s7 =	smul.u32 @!p0 $0xF7A, s2;
	p2 =	seq.s32 @!p0 s5, $0x0  }
0x1f: {  	s9 =	smul.u32 $0xF7A, s1;
	s8 =	simm.s32 @!p0 $0x1BF5;
	p2 =	por !p2, p0  }
0x20: {  	[sflag:s8] =	ssyncset.s32 @!p0 $0xFFFFF086;
	s6 =	sadd.s32 @!p0 s3, s7;
	s7 =	simm.s32 @!p0 $0x108  }
0x21: {  	s3 =	sadd.s32 s3, s9;
	s6 =	sadd.s32 @!p0 $0x88, s6;
	s7 =	simm.s32 @p2 $0x1082  }
0x22: {  	[simem:s7], [sflag:s8] =	dma.local @!p0 [hbm:s6], $0xF7A  }
0x23: {  	s9 =	sor.u32 $0xD0000000, s2;
	s6 =	simm.s32 $0x108;
	_ =	swait.ge @!p0 [sflag:s8], $0x0  }
0x24: {  	s3 =	sadd.s32 $0x88, s3;
	s6 =	simm.s32 @!p1 $0x1082;
	[sflag:s4] =	ssyncset.s32 $0xFFFFF086  }
0x25: {  	[simem:s6], [sflag:s4] =	dma.local [hbm:s3], $0xF7A  }
0x26: {  	[smem:$0x3F94] =	sst s1;
	(tag) =	ssettag s2;
	_ =	strace s9  }
0x27: {  	s1 =	sld [smem:$0x3FA4]  }
0x28: {  	s2 =	sld [smem:$0x3FA5]  }
0x29: {  	s4 =	sld [smem:$0x3FA7]  }
0x2a: {  	p0 =	seq.s32 s5, $0x0;
	s5 =	sld [smem:$0x3FA8]  }
0x2b: {  	s6 =	sld [smem:$0x3FA9]  }
0x2c: {  	s7 =	sld [smem:$0x3FAA]  }
0x2d: {  	s3 =	simm.s32 $0x108;
	s8 =	sld [smem:$0x3FAB]  }
0x2e: {  	s3 =	simm.s32 @!p0 $0x1082;
	s9 =	sld [smem:$0x3FAC]  }
0x2f: {  	lr =	sadd.s32 s0, s3;
	s0 =	sld [smem:$0x3FA3]  }
0x30: {  	s3 =	sld [smem:$0x3FA6]  }
0x31: {  	[smem:$0x3FAF] =	sst s10  }
0x32: {  	s10 =	sld [smem:$0x3FAD];
	_ =	sdelay $0x3  }
0x33: {  	p0 =	seq.s32 s10, $0x1;
	s10 =	sld [smem:$0x3FAF];
	_ =	sdelay $0x3  }
0x34: {  	[smem:$0x3FAF] =	sst s10  }
0x35: {  	s10 =	sld [smem:$0x3FAE];
	_ =	sdelay $0x3  }
0x36: {  	p1 =	seq.s32 s10, $0x1;
	s10 =	sld [smem:$0x3FAF];
	_ =	sdelay $0x3  }
0x37: {  	[smem:$0x3FAF] =	sst s10  }
0x38: {  	s10 =	sld [smem:$0x3FB0]  }
0x39: {  	_ = 	snop;
	(pc) =	sbr.ind lr, $3  }
0x3a: {  	_ = 	snop  }
0x3b: {  	_ = 	snop  }
0x3c: {  	p2 =	seq.s32 s10, $0x1;
	s10 =	sld [smem:$0x3FAF]  }
0x3d: {  	_ =	shalt  }
0x3e: {  	_ =	shalt  }
0x3f: {  	_ =	shalt  }
0x40: {  	_ =	shalt  }
0x41: {  	_ =	shalt  }
0x42: {  	_ =	shalt  }
0x43: {  	_ =	shalt  }
0x44: {  	_ =	shalt  }
0x45: {  	_ =	shalt  }
0x46: {  	_ =	shalt  }
0x47: {  	_ =	shalt  }
0x48: {  	_ =	shalt  }
0x49: {  	_ =	shalt  }
0x4a: {  	_ =	shalt  }
0x4b: {  	_ =	shalt  }
0x4c: {  	_ =	shalt  }
0x4d: {  	_ =	shalt  }
0x4e: {  	_ =	shalt  }
0x4f: {  	_ =	shalt  }
0x50: {  	_ =	shalt  }
0x51: {  	_ =	shalt  }
0x52: {  	_ =	shalt  }
0x53: {  	_ =	shalt  }
0x54: {  	_ =	shalt  }
0x55: {  	_ =	shalt  }
0x56: {  	_ =	shalt  }
0x57: {  	_ =	shalt  }
0x58: {  	_ =	shalt  }
0x59: {  	_ =	shalt  }
0x5a: {  	_ =	shalt  }
0x5b: {  	_ =	shalt  }
0x5c: {  	_ =	shalt  }
0x5d: {  	_ =	shalt  }
0x5e: {  	_ =	shalt  }
0x5f: {  	_ =	shalt  }
0x60: {  	_ =	shalt  }
0x61: {  	_ =	shalt  }
0x62: {  	_ =	shalt  }
0x63: {  	_ =	shalt  }
0x64: {  	_ =	shalt  }
0x65: {  	_ =	shalt  }
0x66: {  	_ =	shalt  }
0x67: {  	_ =	shalt  }
0x68: {  	_ =	shalt  }
0x69: {  	_ =	shalt  }
0x6a: {  	_ =	shalt  }
0x6b: {  	_ =	shalt  }
0x6c: {  	_ =	shalt  }
0x6d: {  	_ =	shalt  }
0x6e: {  	_ =	shalt  }
0x6f: {  	_ =	shalt  }
0x70: {  	_ =	shalt  }
0x71: {  	_ =	shalt  }
0x72: {  	_ =	shalt  }
0x73: {  	_ =	shalt  }
0x74: {  	_ =	shalt  }
0x75: {  	_ =	shalt  }
0x76: {  	_ =	shalt  }
0x77: {  	_ =	shalt  }
0x78: {  	_ =	shalt  }
0x79: {  	_ =	shalt  }
0x7a: {  	_ =	shalt  }
0x7b: {  	_ =	shalt  }
0x7c: {  	_ =	shalt  }
0x7d: {  	_ =	shalt  }
0x7e: {  	_ =	shalt  }
0x7f: {  	_ =	shalt  }
0x80: {  	_ =	shalt  }
0x81: {  	_ =	shalt  }
0x82: {  	_ =	shalt  }
0x83: {  	_ =	shalt  }
0x84: {  	_ =	shalt  }
0x85: {  	_ =	shalt  }
0x86: {  	_ =	shalt  }
0x87: {  	_ =	shalt  }
.Lfunc_end0:
.L_simem_size_0:
called_computation_lowered:
.L_overlay_start_0:
0x88: {  	s2 =	sld [smem:$0x3FD9]  }
0x89: {  	s3 =	sld [smem:$0x3FFE];
	_ =	sdelay $0x1  }
0x8a: {  	s1 =	srdreg.scid  }
0x8b: {  	s0 =	sand.u32 $0x1, s1  }
0x8c: {  	s17 =	sshll.u32 s0, $0xA;
	s2 =	sadd.s32 s3, s2  }
0x8d: {  	s2 =	sadd.s32 s2, s17  }
0x8e: {  	[smem:$0x3FBB] =	sst s2  }
0x8f: {  	_ = 	snop  }
0x90: {  	s2 =	sld [smem:$0x3FC9]  }
0x91: {  	s18 =	sld [smem:$0x3FBF]  }
0x92: {  	s4 =	sld [smem:$0x3FD0];
	(tm) =	ssettm $0x1  }
0x93: {  	s5 =	sld [smem:$0x3FFB];
	_ =	sdelay $0x3  }
0x94: {  	_ =	strace s5  }
0x95: {  	s5 =	sld [smem:$0x3FFC];
	_ =	sdelay $0x3  }
0x96: {  	_ =	strace s5  }
0x97: {  	s5 =	sld [smem:$0x3FFD];
	_ =	sdelay $0x3  }
0x98: {  	_ =	strace s5  }
0x99: {  	_ =	strace $0x8FFFFFFF  }
0x9a: {  	s19 =	sld [smem:$0x3FDB];
	_ =	sdelay $0x1  }
0x9b: {  	s6 =	simm.s32 $_scs_section_size  }
0x9c: {  	s7 =	simm.s32 $_size__tile_overlayer_lowered;
	s8 =	simm.s32 $_tile_overlayer_lowered  }
0x9d: {  	s22 =	simm.s32 $0x1BFF;
	s21 =	sshll.u32 s8, $0x1;
	s5 =	sadd.s32 s6, s19  }
0x9e: {  	s9 =	simm.s32 $0x0;
	s20 =	sshll.u32 s7, $0x1;
	s7 =	sadd.s32 s21, s5  }
0x9f: {  	[timem:s9], [sflag:s22] =	dma.local [hbm:s7], s20  }
0xa0: {  	_ =	swait.ge [sflag:s22], s20  }
0xa1: {  	s6 =	ssub.s32 $0x0, s20;
	[sflag:s22] =	ssyncset.done $0x0  }
0xa2: {  	[sflag:s22] =	ssyncadd.s32 s6;
	_ =	sdelay $0x1  }
0xa3: {  	s23 =	simm.s32 $0x1B8B  }
0xa4: {  	_ =	swait.ge [sflag:s23], $0x1  }
0xa5: {  	[sflag:s23] =	ssyncset.done $0x0  }
0xa6: {  	s25 =	simm.s32 $0x1B8E;
	s24 =	sld [smem:$0x3FFE];
	[sflag:s23] =	ssyncadd.s32 $0xFFFFFFFF  }
0xa7: {  	s26 =	simm.s32 $execute0_lowered;
	[smem:$0x3FD2] =	sst s25  }
0xa8: {  	s7 =	sshll.u32 s26, $0x1;
	_ =	strace $0x80000046;
	[dreg:$0x1] =	wrdreg $0xFFFFFFFF  }
0xa9: {  	s28 =	simm.s32 $_size_execute0_lowered;
	s5 =	sadd.s32 s5, s7;
	[dreg:$0x0] =	wrdreg $0x0  }
0xaa: {  	s7 =	sshll.u32 s28, $0x1;
	[dreg:$0x2] =	wrdreg s5  }
0xab: {  	[dreg:$0x3] =	wrdreg s7  }
0xac: {  	[dreg:$0x4] =	wrdreg $0xC0  }
0xad: {  	_ =	task [dreg:s9], $0x5FFFF  }
0xae: {  	[dreg:$0x1] =	wrdreg $0xFFFFFFFF  }
0xaf: {  	[dreg:$0x0] =	wrdreg $0x60  }
0xb0: {  	[dreg:$0x2] =	wrdreg s24  }
0xb1: {  	[dreg:$0x3] =	wrdreg s18  }
0xb2: {  	[dreg:$0x4] =	wrdreg s2  }
0xb3: {  	[dreg:$0x5] =	wrdreg s4  }
0xb4: {  	[dreg:$0x6] =	wrdreg $0x9  }
0xb5: {  	_ =	task.clear_ibuf [dreg:s9], $0x7FFFF;
	_ =	strace $0x90000046  }
0xb6: {  	s29 =	simm.s32 $0x9;
	_ =	strace $0x80000048  }
0xb7: {  	_ =	swait.ge [sflag:s29], $0x1  }
0xb8: {  	[sflag:s29] =	ssyncadd.s32 $0xFFFFFFFF  }
0xb9: {  	_ =	strace $0x90000048  }
0xba: {  	_ =	sfence  }
0xbb: {  	s30 =	sld [smem:$0x0];
	_ =	sdelay $0x2  }
0xbc: {  	s31 =	sshll.u32 s1, $0xD;
	s1 =	sshrl.u32 s1, $0x2  }
0xbd: {  	s3 =	sand.u32 $0x4000, s31;
	s1 =	sadd.s32 s1, s30  }
0xbe: {  	s0 =	sor.u32 s3, s0;
	s1 =	sshll.u32 s1, $0x11  }
0xbf: {  	s0 =	sor.u32 s1, s0  }
0xc0: {  	s0 =	sadd.s32 $0x8F2B, s0  }
0xc1: {  	[sflag:s0] =	ssyncadd.remote.s32 $0x1  }
0xc2: {  	_ =	sfence.sel $0xFFFF  }
0xc3: {  	[dreg:$0x0] =	wrdreg $0xFFFFFFFF;
	(pc) =	sbr.abs _section_cstart, $3  }
0xc4: {  	[dreg:$0x1] =	wrdreg $0xFFFFFFFF  }
0xc5: {  	_ =	task.clear_ibuf [dreg:s9], $0x2FFFF;
	_ =	strace $0x9FFFFFFF  }
0xc6: {  	(tm) =	ssettm $0x7FFFFFFF  }
0xc7: {  	_ =	shalt  }
tec
execute0_lowered:
.L_overlay_start_1:
0x0: {  	(tag) =	ssettag $0x1  }
0x1: {  	s0 =	rddreg [dreg:$0x0]  }
0x2: {  	s6 =	rddreg [dreg:$0x1]  }
0x3: {  	s7 =	rddreg [dreg:$0x2]  }
0x4: {  	s8 =	rddreg [dreg:$0x3];
	s2 =	simm.s32 $0x0;
	s3 =	srdreg.scid  }
0x5: {  	s1 =	stileid.u32;
	s24 =	simm.s32 $0x10600;
	s25 =	simm.s32 $0x10400  }
0x6: {  	s26 =	simm.s32 $0x2200;
	s13 =	simm.s32 $0x10200;
	s15 =	simm.s32 $0x10280  }
0x7: {  	s16 =	simm.s32 $0x10480;
	s17 =	simm.s32 $0x100;
	s18 =	simm.s32 $0x4200  }
0x8: {  	s28 =	simm.s32 $0x1;
	s29 =	simm.s32 $0x2;
	s30 =	simm.s32 $0x3  }
0x9: {  	s31 =	simm.s32 $0x4;
	[smem:$0x7FF] =	sst s2;
	s9 =	sand.u32 $0x1, s3  }
0xa: {  	s4 =	sshll.u32 s1, $0x1;
	s3 =	sadd.s32 $0x9000, s0;
	s5 =	sadd.s32 $0x2C00, s0  }
0xb: {  	_ =	strace $0x80000047;
	s10 =	sor.u32 s9, s4;
	[dreg:$0x9] =	wrdreg s24  }
0xc: {  	s4 =	sadd.s32 $0xCC600, s0;
	s20 =	ssub.s32 $0x2, s9;
	[dreg:$0xa] =	wrdreg s25  }
0xd: {  	[dreg:$0xb] =	wrdreg s26;
	s24 =	simm.s32 $0xE200;
	s25 =	simm.s32 $0x10380  }
0xe: {  	s26 =	simm.s32 $0x10580;
	s11 =	sshll.u32 s10, $0x6;
	s10 =	sshll.u32 s10, $0xD  }
0xf: {  	s9 =	sshrl.u32 s20, $0x1;
	s12 =	sadd.s32 s11, s0;
	s7 =	sadd.s32 s7, s11  }
0x10: {  	s19 =	sadd.s32 s6, s11;
	s6 =	sadd.s32 s8, s10;
	s23 =	ssub.s32 s20, s9  }
0x11: {  	s9 =	simm.s32 $0x5;
	s10 =	simm.s32 $0x80;
	[dreg:$0x5] =	wrdreg s7  }
0x12: {  	s11 =	simm.s32 $0x200;
	s20 =	simm.s32 $0x10300;
	[dreg:$0x6] =	wrdreg s19  }
0x13: {  	s21 =	sadd.s32 $0x8, s6;
	s22 =	sadd.s32 $0x18FC00, s12;
	s7 =	sadd.s32 $0x5E00, s0  }
0x14: {  	s8 =	smax.u32 s23, $0x1;
	s12 =	simm.s32 $0x8200;
	s19 =	simm.s32 $0xC200  }
0x15: {  	s23 =	simm.s32 $0x6200;
	s0 =	simm.s32 $0x40;
	[dreg:$0x7] =	wrdreg s21  }
0x16: {  	[dreg:$0x8] =	wrdreg s22;
	s21 =	simm.s32 $0x10500;
	s22 =	simm.s32 $0x180  }
.LBB2_1:
0x17: {  	s1 =	rddreg [dreg:$0x5]  }
0x18: {  	[tilespmem:s2], [sflag:$0x5] =	stream.linear.gather [hbm4b:s1+s2], $0x200, $0x38;
	[tilespmem:$0x10800] =	vst v63  }
0x19: {  	_ =	swait.ge [sflag:s9], $0x200  }
0x1a: {  	s1 =	rddreg [dreg:$0x6];
	[sflag:s9] =	ssyncset.done $0x0  }
0x1b: {  	s14 =	rddreg [dreg:$0x9];
	[sflag:s9] =	ssyncadd.s32 $0xFFFFFE00  }
0x1c: {  	[tilespmem:s14], [sflag:$0x4] =	stream.linear.gather [hbm4b:s1+s2], $0x200, $0x38;
	[tilespmem:$0x10800] =	vst v63  }
0x1d: {  	_ = 	snop  }
0x1e: {  	[tilespmem:s11], [sflag:$0x1] =	stream.indirect.gather [hbm4b:s3+s10], $0x40, s2, s10, $0xb8;
	[tilespmem:$0x10800] =	vst v63  }
0x1f: {  	_ = 	snop  }
0x20: {  	[tilespmem:s12], [sflag:$0x2] =	stream.indirect.gather [hbm4b:s4+s10], $0x40, s2, s10, $0xb8;
	[tilespmem:$0x10800] =	vst v63  }
0x21: {  	_ = 	snop  }
0x22: {  	[tilespmem:s13], [sflag:$0x3] =	stream.indirect.gather [hbm4b:s5+s10], $0x1, s2, s10, $0xb8;
	[tilespmem:$0x10800] =	vst v63  }
0x23: {  	s1 =	rddreg [dreg:$0xa]  }
0x24: {  	[tilespmem:s1], [sflag:$0x3] =	stream.indirect.gather [hbm4b:s7+s10], $0x1, s2, s10, $0xb8;
	[tilespmem:$0x10800] =	vst v63  }
0x25: {  	s14 =	rddreg [dreg:$0xb]  }
0x26: {  	[tilespmem:s14], [sflag:$0x1] =	stream.indirect.gather [hbm4b:s3+s10], $0x40, s10, s10, $0xb8;
	[tilespmem:$0x10800] =	vst v63  }
0x27: {  	s14 =	simm.s32 $0xA200  }
0x28: {  	[tilespmem:s14], [sflag:$0x2] =	stream.indirect.gather [hbm4b:s4+s10], $0x40, s10, s10, $0xb8;
	[tilespmem:$0x10800] =	vst v63  }
0x29: {  	_ = 	snop  }
0x2a: {  	[tilespmem:s15], [sflag:$0x3] =	stream.indirect.gather [hbm4b:s5+s10], $0x1, s10, s10, $0xb8;
	[tilespmem:$0x10800] =	vst v63  }
0x2b: {  	_ = 	snop  }
0x2c: {  	[tilespmem:s16], [sflag:$0x3] =	stream.indirect.gather [hbm4b:s7+s10], $0x1, s10, s10, $0xb8;
	[tilespmem:$0x10800] =	vst v63  }
0x2d: {  	_ = 	snop  }
0x2e: {  	[tilespmem:s18], [sflag:$0x1] =	stream.indirect.gather [hbm4b:s3+s10], $0x40, s17, s10, $0xb8;
	[tilespmem:$0x10800] =	vst v63  }
0x2f: {  	_ = 	snop  }
0x30: {  	[tilespmem:s19], [sflag:$0x2] =	stream.indirect.gather [hbm4b:s4+s10], $0x40, s17, s10, $0xb8;
	[tilespmem:$0x10800] =	vst v63  }
0x31: {  	_ = 	snop  }
0x32: {  	[tilespmem:s20], [sflag:$0x3] =	stream.indirect.gather [hbm4b:s5+s10], $0x1, s17, s10, $0xb8;
	[tilespmem:$0x10800] =	vst v63  }
0x33: {  	_ = 	snop  }
0x34: {  	[tilespmem:s21], [sflag:$0x3] =	stream.indirect.gather [hbm4b:s7+s10], $0x1, s17, s10, $0xb8;
	[tilespmem:$0x10800] =	vst v63  }
0x35: {  	_ = 	snop  }
0x36: {  	[tilespmem:s23], [sflag:$0x1] =	stream.indirect.gather [hbm4b:s3+s10], $0x40, s22, s10, $0xb8;
	[tilespmem:$0x10800] =	vst v63  }
0x37: {  	_ = 	snop  }
0x38: {  	[tilespmem:s24], [sflag:$0x2] =	stream.indirect.gather [hbm4b:s4+s10], $0x40, s22, s10, $0xb8;
	[tilespmem:$0x10800] =	vst v63  }
0x39: {  	_ = 	snop  }
0x3a: {  	[tilespmem:s25], [sflag:$0x3] =	stream.indirect.gather [hbm4b:s5+s10], $0x1, s22, s10, $0xb8;
	[tilespmem:$0x10800] =	vst v63  }
0x3b: {  	_ = 	snop  }
0x3c: {  	[tilespmem:s26], [sflag:$0x3] =	stream.indirect.gather [hbm4b:s7+s10], $0x1, s22, s10, $0xb8;
	[tilespmem:$0x10800] =	vst v63  }
0x3d: {  	_ =	swait.ge [sflag:s28], $0x2000  }
0x3e: {  	[sflag:s28] =	ssyncset.done $0x0  }
0x3f: {  	[sflag:s28] =	ssyncadd.s32 $0xFFFFE000  }
0x40: {  	_ =	swait.ge [sflag:s29], $0x2000  }
0x41: {  	[sflag:s29] =	ssyncset.done $0x0  }
0x42: {  	[sflag:s29] =	ssyncadd.s32 $0xFFFFE000  }
0x43: {  	_ =	swait.ge [sflag:s30], $0x80  }
0x44: {  	[sflag:s30] =	ssyncset.done $0x0  }
0x45: {  	[sflag:s30] =	ssyncadd.s32 $0xFFFFFF80  }
0x46: {  	_ =	swait.ge [sflag:s30], $0x80  }
0x47: {  	[sflag:s30] =	ssyncset.done $0x0  }
0x48: {  	[sflag:s30] =	ssyncadd.s32 $0xFFFFFF80  }
0x49: {  	_ =	swait.ge [sflag:s28], $0x2000  }
0x4a: {  	[sflag:s28] =	ssyncset.done $0x0  }
0x4b: {  	[sflag:s28] =	ssyncadd.s32 $0xFFFFE000  }
0x4c: {  	_ =	swait.ge [sflag:s29], $0x2000  }
0x4d: {  	[sflag:s29] =	ssyncset.done $0x0  }
0x4e: {  	[sflag:s29] =	ssyncadd.s32 $0xFFFFE000  }
0x4f: {  	_ =	swait.ge [sflag:s30], $0x80  }
0x50: {  	[sflag:s30] =	ssyncset.done $0x0  }
0x51: {  	[sflag:s30] =	ssyncadd.s32 $0xFFFFFF80  }
0x52: {  	_ =	swait.ge [sflag:s30], $0x80  }
0x53: {  	[sflag:s30] =	ssyncset.done $0x0  }
0x54: {  	[sflag:s30] =	ssyncadd.s32 $0xFFFFFF80  }
0x55: {  	_ =	swait.ge [sflag:s28], $0x2000  }
0x56: {  	[sflag:s28] =	ssyncset.done $0x0  }
0x57: {  	[sflag:s28] =	ssyncadd.s32 $0xFFFFE000  }
0x58: {  	_ =	swait.ge [sflag:s29], $0x2000  }
0x59: {  	[sflag:s29] =	ssyncset.done $0x0  }
0x5a: {  	[sflag:s29] =	ssyncadd.s32 $0xFFFFE000  }
0x5b: {  	_ =	swait.ge [sflag:s30], $0x80  }
0x5c: {  	[sflag:s30] =	ssyncset.done $0x0  }
0x5d: {  	[sflag:s30] =	ssyncadd.s32 $0xFFFFFF80  }
0x5e: {  	_ =	swait.ge [sflag:s30], $0x80  }
0x5f: {  	[sflag:s30] =	ssyncset.done $0x0  }
0x60: {  	[sflag:s30] =	ssyncadd.s32 $0xFFFFFF80  }
0x61: {  	_ =	swait.ge [sflag:s28], $0x2000  }
0x62: {  	[sflag:s28] =	ssyncset.done $0x0  }
0x63: {  	[sflag:s28] =	ssyncadd.s32 $0xFFFFE000  }
0x64: {  	_ =	swait.ge [sflag:s29], $0x2000  }
0x65: {  	[sflag:s29] =	ssyncset.done $0x0  }
0x66: {  	[sflag:s29] =	ssyncadd.s32 $0xFFFFE000  }
0x67: {  	_ =	swait.ge [sflag:s30], $0x80  }
0x68: {  	[sflag:s30] =	ssyncset.done $0x0  }
0x69: {  	[sflag:s30] =	ssyncadd.s32 $0xFFFFFF80  }
0x6a: {  	_ =	swait.ge [sflag:s30], $0x80  }
0x6b: {  	[sflag:s30] =	ssyncset.done $0x0  }
0x6c: {  	[sflag:s30] =	ssyncadd.s32 $0xFFFFFF80  }
0x6d: {  	_ =	swait.ge [sflag:s31], $0x200  }
0x6e: {  	[sflag:s31] =	ssyncset.done $0x0  }
0x6f: {  	[sflag:s31] =	ssyncadd.s32 $0xFFFFFE00  }
0x70: {  	v14 =	vld [tilespmem:$0x10200]  }
0x71: {  	v20 =	vld [tilespmem:$0x10600]  }
0x72: {  	v1 =	vld [tilespmem:$0x10400]  }
0x73: {  	v12 =	vld [tilespmem:$0x10210]  }
0x74: {  	v21 =	vld [tilespmem:$0x10610]  }
0x75: {  	v4 =	vld [tilespmem:$0x10410]  }
0x76: {  	v11 =	vld [tilespmem:$0x10220]  }
0x77: {  	v22 =	vld [tilespmem:$0x10620]  }
0x78: {  	v7 =	vld [tilespmem:$0x10420]  }
0x79: {  	v9 =	vld [tilespmem:$0x10230]  }
0x7a: {  	v23 =	vld [tilespmem:$0x10630]  }
0x7b: {  	v10 =	vld [tilespmem:$0x10430]  }
0x7c: {  	v8 =	vld [tilespmem:$0x10240]  }
0x7d: {  	v24 =	vld [tilespmem:$0x10640]  }
0x7e: {  	v13 =	vld [tilespmem:$0x10440]  }
0x7f: {  	v6 =	vld [tilespmem:$0x10250]  }
0x80: {  	v25 =	vld [tilespmem:$0x10650]  }
0x81: {  	v15 =	vld [tilespmem:$0x10450]  }
0x82: {  	v5 =	vld [tilespmem:$0x10260]  }
0x83: {  	v26 =	vld [tilespmem:$0x10660]  }
0x84: {  	v16 =	vld [tilespmem:$0x10460]  }
0x85: {  	v3 =	vld [tilespmem:$0x10270]  }
0x86: {  	v27 =	vld [tilespmem:$0x10670]  }
0x87: {  	v17 =	vld [tilespmem:$0x10470]  }
0x88: {  	v18 =	vld [tilespmem:$0x10480]  }
0x89: {  	v30 =	vld [tilespmem:$0x10490]  }
0x8a: {  	v33 =	vld [tilespmem:$0x104A0]  }
0x8b: {  	v35 =	vld [tilespmem:$0x104C0]  }
0x8c: {  	v55 =	vld [tilespmem:$0x104E0]  }
0x8d: {  	v57 =	vld [tilespmem:$0x104F0];
	v19 =	vmul.f32 $5.000000000e-01, v1  }
0x8e: {  	v59 =	vld [tilespmem:$0x10500];
	v4 =	vmul.f32 $5.000000000e-01, v4;
	v7 =	vmul.f32 $5.000000000e-01, v7  }
0x8f: {  	v37 =	vld [tilespmem:$0x10510];
	v10 =	vmul.f32 $5.000000000e-01, v10;
	v13 =	vmul.f32 $5.000000000e-01, v13  }
0x90: {  	v39 =	vld [tilespmem:$0x10520];
	v46 =	vmul.f32 $5.000000000e-01, v15;
	v47 =	vmul.f32 $5.000000000e-01, v16  }
0x91: {  	v41 =	vld [tilespmem:$0x10530];
	v17 =	vmul.f32 $5.000000000e-01, v17;
	v51 =	vmul.f32 $5.000000000e-01, v18  }
0x92: {  	v2 =	vld [tilespmem:$0x10280];
	v53 =	vmul.f32 $5.000000000e-01, v30;
	v54 =	vmul.f32 $5.000000000e-01, v33  }
0x93: {  	v28 =	vld [tilespmem:$0x10680];
	v58 =	vmul.f32 $5.000000000e-01, v35;
	v33 =	vmul.f32 $5.000000000e-01, v55  }
0x94: {  	v0 =	vld [tilespmem:$0x10290];
	v18 =	vmul.f32 $5.000000000e-01, v57;
	v61 =	vmul.f32 $5.000000000e-01, v59  }
0x95: {  	v29 =	vld [tilespmem:$0x10690];
	v62 =	vmul.f32 $5.000000000e-01, v37;
	v39 =	vmul.f32 $5.000000000e-01, v39  }
0x96: {  	v31 =	vld [tilespmem:$0x106A0];
	v41 =	vmul.f32 $5.000000000e-01, v41;
	v19 =	vmul.f32 $1.442695020e+00, v19  }
0x97: {  	v52 =	vld [tilespmem:$0x104D0];
	v32 =	vmul.f32 $1.442695020e+00, v4;
	v7 =	vmul.f32 $1.442695020e+00, v7  }
0x98: {  	v45 =	vld [tilespmem:$0x104B0];
	v10 =	vmul.f32 $1.442695020e+00, v10;
	v13 =	vmul.f32 $1.442695020e+00, v13  }
0x99: {  	v34 =	vld [tilespmem:$0x106C0];
	v48 =	vmul.f32 $1.442695020e+00, v46;
	v49 =	vmul.f32 $1.442695020e+00, v47  }
0x9a: {  	v36 =	vld [tilespmem:$0x106D0];
	v50 =	vmul.f32 $1.442695020e+00, v17;
	v16 =	vmul.f32 $1.442695020e+00, v51  }
0x9b: {  	v1 =	vld [tilespmem:$0x102A0];
	v15 =	vmul.f32 $1.442695020e+00, v53;
	v56 =	vmul.f32 $1.442695020e+00, v54  }
0x9c: {  	v30 =	vld [tilespmem:$0x106E0];
	v17 =	vmul.f32 $5.000000000e-01, v52;
	(erf) = vpow2.f32 v19  }
0x9d: {  	v35 =	vld [tilespmem:$0x106F0];
	v33 =	vmul.f32 $1.442695020e+00, v33;
	(erf) = vpow2.f32 v32  }
0x9e: {  	v57 =	vld [tilespmem:$0x10540];
	v60 =	vmul.f32 $1.442695020e+00, v18;
	(erf) = vpow2.f32 v7  }
0x9f: {  	v4 =	vld [tilespmem:$0x102B0];
	v39 =	vmul.f32 $1.442695020e+00, v39;
	(erf) = vpow2.f32 v10  }
0xa0: {  	v46 =	vld [tilespmem:$0x10710];
	v41 =	vmul.f32 $1.442695020e+00, v41;
	(erf) = vpow2.f32 v13  }
0xa1: {  	v18 =	vld [tilespmem:$0x10320];
	v19 =	vmul.f32 $5.000000000e-01, v45;
	(erf) = vpow2.f32 v48  }
0xa2: {  	v54 =	vld [tilespmem:$0x10730];
	v17 =	vmul.f32 $1.442695020e+00, v17;
	(erf) = vpow2.f32 v49  }
0xa3: {  	v45 =	vmul.f32 $1.442695020e+00, v61;
	v61 =	vld [tilespmem:$0x10550];
	(erf) = vpow2.f32 v50  }
0xa4: {  	v32 =	vld [tilespmem:$0x106B0];
	v19 =	vmul.f32 $1.442695020e+00, v19;
	(erf) = vpow2.f32 v16  }
0xa5: {  	v7 =	vld [tilespmem:$0x102C0];
	v16 =	vmul.f32 $1.442695020e+00, v58;
	(erf) = vpow2.f32 v15;
	v38 =	vpop (erf)  }
0xa6: {  	v10 =	vld [tilespmem:$0x102D0];
	(erf) = vpow2.f32 v56;
	v40 =	vpop (erf);
	v38 =	vmul.f32 v38, v20  }
0xa7: {  	v13 =	vld [tilespmem:$0x102E0];
	(erf) = vpow2.f32 v19;
	v42 =	vpop (erf);
	v19 =	vmul.f32 $1.442695020e+00, v62  }
0xa8: {  	v15 =	vld [tilespmem:$0x102F0];
	v40 =	vmul.f32 v40, v21;
	(erf) = vpow2.f32 v16;
	v43 =	vpop (erf)  }
0xa9: {  	v20 =	vld [tilespmem:$0x10340];
	v22 =	vmul.f32 v42, v22;
	(erf) = vpow2.f32 v17;
	v44 =	vpop (erf)  }
0xaa: {  	v21 =	vld [tilespmem:$0x10350];
	v23 =	vmul.f32 v43, v23;
	(erf) = vpow2.f32 v33;
	v63 =	vpop (erf)  }
0xab: {  	v16 =	vld [tilespmem:$0x10300];
	v43 =	vmul.f32 $5.000000000e-01, v57;
	(erf) = vpow2.f32 v60;
	v47 =	vpop (erf)  }
0xac: {  	v24 =	vmul.f32 v44, v24;
	v25 =	vmul.f32 v63, v25;
	v63 =	vld [tilespmem:$0x10560];
	v48 =	vpop (erf)  }
0xad: {  	v44 =	vld [tilespmem:$0x105F0];
	(erf) = vpow2.f32 v45;
	v26 =	vmul.f32 v47, v26;
	v49 =	vpop (erf)  }
0xae: {  	v42 =	vld [tilespmem:$0x10740];
	(erf) = vpow2.f32 v19;
	v27 =	vmul.f32 v48, v27;
	v50 =	vpop (erf)  }
0xaf: {  	v17 =	vld [tilespmem:$0x10310];
	(erf) = vpow2.f32 v39;
	v28 =	vmul.f32 v49, v28;
	v51 =	vpop (erf)  }
0xb0: {  	v5 =	vadd.f32 v26, v5;
	(erf) = vpow2.f32 v41;
	v55 =	vpop (erf);
	v31 =	vmul.f32 v51, v31;
	v51 =	vld [tilespmem:$0x10570]  }
0xb1: {  	v29 =	vmul.f32 v50, v29;
	v57 =	vmul.f32 $5.000000000e-01, v63;
	v63 =	vld [tilespmem:$0x105B0];
	v56 =	vpop (erf)  }
0xb2: {  	[tilespmem:$0x10260] =	vst v5;
	v2 =	vadd.f32 v28, v2;
	v28 =	vld [tilespmem:$0x105D0];
	v5 =	vmul.f32 $5.000000000e-01, v44;
	v32 =	vmul.f32 v55, v32;
	v58 =	vpop (erf)  }
0xb3: {  	v33 =	vld [tilespmem:$0x10700];
	v34 =	vmul.f32 v56, v34;
	v56 =	vmul.f32 $1.442695020e+00, v43;
	v59 =	vpop (erf)  }
0xb4: {  	v55 =	vld [tilespmem:$0x10580];
	v5 =	vmul.f32 $1.442695020e+00, v5;
	v36 =	vmul.f32 v58, v36;
	v60 =	vpop (erf)  }
0xb5: {  	v14 =	vadd.f32 v38, v14;
	v45 =	vld [tilespmem:$0x10720];
	v30 =	vmul.f32 v59, v30;
	v35 =	vmul.f32 v60, v35  }
0xb6: {  	v12 =	vadd.f32 v40, v12;
	v19 =	vld [tilespmem:$0x10330];
	v62 =	vpop (erf);
	v60 =	vmul.f32 $5.000000000e-01, v51;
	(erf) = vpow2.f32 v56  }
0xb7: {  	v11 =	vadd.f32 v22, v11;
	v48 =	vld [tilespmem:$0x10750];
	v40 =	vmul.f32 $5.000000000e-01, v63;
	v56 =	vmul.f32 $5.000000000e-01, v28;
	v50 =	vpop (erf)  }
0xb8: {  	[tilespmem:$0x10200] =	vst v14;
	v9 =	vadd.f32 v23, v9;
	v58 =	vld [tilespmem:$0x10590];
	v33 =	vmul.f32 v62, v33;
	v62 =	vmul.f32 $1.442695020e+00, v57;
	v52 =	vpop (erf)  }
0xb9: {  	[tilespmem:$0x10210] =	vst v12;
	v6 =	vadd.f32 v25, v6;
	v25 =	vld [tilespmem:$0x105C0];
	v23 =	vmul.f32 $5.000000000e-01, v55;
	v37 =	vmul.f32 v50, v46;
	v53 =	vpop (erf)  }
0xba: {  	[tilespmem:$0x10220] =	vst v11;
	v8 =	vadd.f32 v24, v8;
	v39 =	vmul.f32 v53, v54;
	v54 =	vmul.f32 $5.000000000e-01, v61;
	v61 =	vld [tilespmem:$0x105A0]  }
0xbb: {  	[tilespmem:$0x10230] =	vst v9;
	v9 =	vld [tilespmem:$0x10370];
	v22 =	vmul.f32 $1.442695020e+00, v60;
	v50 =	vmul.f32 $1.442695020e+00, v40  }
0xbc: {  	[tilespmem:$0x10240] =	vst v8;
	v8 =	vld [tilespmem:$0x10770];
	v3 =	vadd.f32 v27, v3;
	v38 =	vmul.f32 v52, v45;
	v59 =	vmul.f32 $1.442695020e+00, v54  }
0xbd: {  	v49 =	vld [tilespmem:$0x10380];
	[tilespmem:$0x10250] =	vst v6;
	v0 =	vadd.f32 v29, v0;
	v24 =	vmul.f32 $5.000000000e-01, v58;
	v26 =	vmul.f32 $1.442695020e+00, v23  }
0xbe: {  	v41 =	vld [tilespmem:$0x105E0];
	[tilespmem:$0x10270] =	vst v3;
	v1 =	vadd.f32 v31, v1;
	v53 =	vmul.f32 $5.000000000e-01, v25;
	(erf) = vpow2.f32 v59  }
0xbf: {  	[tilespmem:$0x10280] =	vst v2;
	v47 =	vadd.f32 v32, v4;
	v32 =	vld [tilespmem:$0x107C0];
	(erf) = vpow2.f32 v62;
	v27 =	vmul.f32 $5.000000000e-01, v61  }
0xc0: {  	[tilespmem:$0x10290] =	vst v0;
	v63 =	vld [tilespmem:$0x107A0];
	v29 =	vmul.f32 $1.442695020e+00, v24;
	(erf) = vpow2.f32 v22  }
0xc1: {  	[tilespmem:$0x102A0] =	vst v1;
	v51 =	vadd.f32 v34, v7;
	v28 =	vld [tilespmem:$0x103C0];
	(erf) = vpow2.f32 v26;
	v43 =	vmul.f32 $1.442695020e+00, v27  }
0xc2: {  	[tilespmem:$0x102B0] =	vst v47;
	v55 =	vld [tilespmem:$0x10390];
	v57 =	vadd.f32 v30, v13;
	v6 =	vmul.f32 $1.442695020e+00, v53;
	(erf) = vpow2.f32 v29  }
0xc3: {  	v46 =	vld [tilespmem:$0x10360];
	[tilespmem:$0x102C0] =	vst v51;
	v60 =	vadd.f32 v35, v15;
	v59 =	vmul.f32 $5.000000000e-01, v41;
	(erf) = vpow2.f32 v43  }
0xc4: {  	v7 =	vmul.f32 $1.442695020e+00, v56;
	v45 =	vld [tilespmem:$0x10760];
	[tilespmem:$0x102E0] =	vst v57;
	v23 =	vadd.f32 v38, v18;
	(erf) = vpow2.f32 v50  }
0xc5: {  	v35 =	vld [tilespmem:$0x103D0];
	[tilespmem:$0x102F0] =	vst v60;
	v54 =	vadd.f32 v36, v10;
	v11 =	vmul.f32 $1.442695020e+00, v59;
	(erf) = vpow2.f32 v6  }
0xc6: {  	v52 =	vld [tilespmem:$0x10780];
	[tilespmem:$0x10320] =	vst v23;
	v62 =	vadd.f32 v33, v16;
	v16 =	vadd.f32 v37, v17;
	v17 =	vpop (erf);
	(erf) = vpow2.f32 v7  }
0xc7: {  	v58 =	vld [tilespmem:$0x10790];
	[tilespmem:$0x102D0] =	vst v54;
	v13 =	vmul.f32 v17, v42;
	v24 =	vpop (erf);
	(erf) = vpow2.f32 v11  }
0xc8: {  	v25 =	vld [tilespmem:$0x107B0];
	[tilespmem:$0x10300] =	vst v62;
	v26 =	vadd.f32 v39, v19;
	v14 =	vmul.f32 v24, v48;
	v27 =	vpop (erf);
	(erf) = vpow2.f32 v5  }
0xc9: {  	v38 =	vld [tilespmem:$0x107D0];
	[tilespmem:$0x10310] =	vst v16;
	v30 =	vadd.f32 v13, v20;
	v29 =	vpop (erf);
	v31 =	vmul.f32 v27, v45  }
0xca: {  	v61 =	vld [tilespmem:$0x103A0];
	[tilespmem:$0x10330] =	vst v26;
	v33 =	vpop (erf);
	v34 =	vadd.f32 v14, v21;
	v5 =	vmul.f32 v29, v8  }
0xcb: {  	v22 =	vld [tilespmem:$0x103B0];
	[tilespmem:$0x10340] =	vst v30;
	v36 =	vpop (erf);
	v37 =	vadd.f32 v31, v46;
	v2 =	vmul.f32 v33, v52  }
0xcc: {  	v42 =	vld [tilespmem:$0x107E0];
	v39 =	vpop (erf);
	[tilespmem:$0x10350] =	vst v34;
	v40 =	vadd.f32 v5, v9;
	v41 =	vmul.f32 v36, v58  }
0xcd: {  	v46 =	vld [tilespmem:$0x107F0];
	v43 =	vpop (erf);
	[tilespmem:$0x10360] =	vst v37;
	v44 =	vadd.f32 v2, v49;
	v45 =	vmul.f32 v39, v63  }
0xce: {  	v50 =	vld [tilespmem:$0x103E0];
	v47 =	vpop (erf);
	[tilespmem:$0x10370] =	vst v40;
	v48 =	vadd.f32 v41, v55;
	v49 =	vmul.f32 v43, v25  }
0xcf: {  	v54 =	vld [tilespmem:$0x103F0];
	v51 =	vpop (erf);
	[tilespmem:$0x10380] =	vst v44;
	v52 =	vadd.f32 v45, v61;
	v53 =	vmul.f32 v47, v32  }
0xd0: {  	v55 =	vpop (erf);
	[tilespmem:$0x10390] =	vst v48;
	v56 =	vadd.f32 v49, v22;
	v57 =	vmul.f32 v51, v38  }
0xd1: {  	[tilespmem:$0x103A0] =	vst v52;
	v58 =	vadd.f32 v53, v28;
	v59 =	vmul.f32 v55, v42;
	v60 =	vpop (erf)  }
0xd2: {  	[tilespmem:$0x103B0] =	vst v56;
	v61 =	vadd.f32 v57, v35;
	v3 =	vmul.f32 v60, v46  }
0xd3: {  	[tilespmem:$0x103C0] =	vst v58;
	v62 =	vadd.f32 v59, v50  }
0xd4: {  	[tilespmem:$0x103D0] =	vst v61;
	v63 =	vadd.f32 v3, v54  }
0xd5: {  	[tilespmem:$0x103E0] =	vst v62  }
0xd6: {  	[tilespmem:$0x103F0] =	vst v63  }
0xd7: {  	[hbm4b:s6+s0] =	stream.strided.scatter [tilespmem:s11], [sflag:$0x5], $0x8000, s10, s0, $0x38;
	[tilespmem:$0x10800] =	vst v63  }
0xd8: {  	_ =	swait.ge [sflag:s9], $0x8000  }
0xd9: {  	[sflag:s9] =	ssyncset.done $0x0  }
0xda: {  	s14 =	rddreg [dreg:$0x7];
	[sflag:s9] =	ssyncadd.s32 $0xFFFF8000  }
0xdb: {  	[hbm4b:s14+s0] =	stream.strided.scatter [tilespmem:s12], [sflag:$0x5], $0x8000, s10, s0, $0x38;
	[tilespmem:$0x10800] =	vst v63  }
0xdc: {  	_ =	swait.ge [sflag:s9], $0x8000  }
0xdd: {  	p0 =	sne.s32 s8, $0x1;
	[sflag:s9] =	ssyncset.done $0x0  }
.Ltmp0:
0xde: {  	s14 =	rddreg [dreg:$0x8];
	[sflag:s9] =	ssyncadd.s32 $0xFFFF8000;
	(pc) =	sbr.rel @p0 .LBB2_1-.Ltmp0, $4  }
0xdf: {  	[hbm4b:s14+s2] =	stream.linear.scatter [tilespmem:s13], [sflag:$0x5], $0x200, $0x38;
	[tilespmem:$0x10800] =	vst v63  }
0xe0: {  	_ =	swait.ge [sflag:s9], $0x200  }
0xe1: {  	[sflag:s9] =	ssyncset.done $0x0  }
0xe2: {  	s8 =	sadd.s32 $0xFFFFFFFF, s8;
	[sflag:s9] =	ssyncadd.s32 $0xFFFFFE00  }
0xe3: {  	_ =	sfence.sel $0x180000  }
0xe4: {  	[bflag:$0x0] =	sbarrier.arrive $0xFFFF  }
0xe5: {  	_ =	strace $0x90000047  }
0xe6: {  	s0 =	stileid.u32;
	[bflag:$0x2] =	sbarrier.arrive $0xFFFF  }
0xe7: {  	p0 =	sne.s32 s0, $0x0;
	s0 =	rddreg [dreg:$0x4]  }
0xe8: {  	s0 =	sadd.s32 @!p0 $0x100000, s0  }
0xe9: {  	[sflag:s0] =	ssyncadd.tile.s32 @!p0 $0x1;
	_ =	shalt  }
.Lfunc_end2:
_tile_overlayer_lowered:
.L_overlay_start_2:
0xea: {  	(tag) =	ssettag $0x2  }
0xeb: {  	s0 =	rddreg [dreg:$0x0];
	s2 =	stileid.u32  }
0xec: {  	s1 =	rddreg [dreg:$0x1];
	p0 =	sne.s32 s2, $0x0  }
0xed: {  	s3 =	rddreg [dreg:$0x2];
	[bflag:$0x3] =	sbarrier.arrive $0xFFFF;
	s2 =	simm.s32 @!p0 $0x1C05  }
0xee: {  	[timem:s3], [sflag:s2] =	dma.local @!p0 [hbm:s0], s1  }
0xef: {  	s0 =	simm.s32 @!p0 $0x5  }
0xf0: {  	_ =	swait.ge @!p0 [sflag:s0], s1  }
0xf1: {  	s1 =	ssub.s32 @!p0 $0x0, s1;
	[sflag:s0] =	ssyncset.done @!p0 $0x0  }
0xf2: {  	[sflag:s0] =	ssyncadd.s32 @!p0 s1  }
0xf3: {  	[bflag:$0x3] =	sbarrier.arrive $0xFFFF  }
0xf4: {  	_ =	shalt  }

</sc_bundles>
